<compile_context>
chip_gen: v7x
topology: tpu7x:2x2x1
jax: 0.10.2.dev20260603
libtpu: 0.0.44.dev20260713+nightly
codegen_flags: <defaults>
</compile_context>

<pallas_src>
import jax
import jax.numpy as jnp
from jax import lax
from jax.experimental import pallas as pl
from jax.experimental.pallas import tpu as pltpu
from jax.experimental.pallas import tpu_sc as plsc

_N_SUB = 16
_N_CORE = 2
_CHUNK = 128
_DEPTH = 2


def _seg_sum_sc(n_nodes, n_acc, e_pad, d_half, feature_split):
    n_workers = _N_SUB if feature_split else (_N_SUB * _N_CORE)
    per_w = e_pad // n_workers
    n_chunks = per_w // _CHUNK
    n_quads = n_chunks // _DEPTH
    rows_out = n_acc // _N_SUB

    mesh = plsc.VectorSubcoreMesh(core_axis_name="c", subcore_axis_name="s")
    out_type = jax.ShapeDtypeStruct((_N_CORE, n_acc, d_half), jnp.float32)
    scratch = (
        [pltpu.VMEM((n_chunks, 1, _CHUNK), jnp.int32)]
        + [pltpu.VMEM((_CHUNK,), jnp.int32) for _ in range(_DEPTH)]
        + [pltpu.VMEM((_CHUNK, d_half), jnp.float32) for _ in range(_DEPTH)]
        + [pltpu.VMEM_SHARED((n_acc, d_half), jnp.float32)]
        + [pltpu.SemaphoreType.DMA for _ in range(2 * _DEPTH)]
    )

    def body(src_hbm, dst_hbm, table_hbm, zrow_hbm, out_hbm, sidx, *rest):
        didxs = rest[:_DEPTH]
        rows = rest[_DEPTH:2 * _DEPTH]
        acc = rest[2 * _DEPTH]
        gsem = rest[2 * _DEPTH + 1:2 * _DEPTH + 1 + _DEPTH]
        dsem = rest[2 * _DEPTH + 1 + _DEPTH:]
        c = lax.axis_index("c")
        s = lax.axis_index("s")
        r0 = s * rows_out

        if feature_split:
            srow0 = (c * e_pad) // _CHUNK + s * n_chunks
            dbase0 = s * per_w
        else:
            srow0 = (c * _N_SUB + s) * n_chunks
            dbase0 = (c * _N_SUB + s) * per_w

        pltpu.sync_copy(src_hbm.at[pl.ds(srow0, n_chunks)], sidx)
        pltpu.sync_copy(zrow_hbm, acc.at[pl.ds(r0, rows_out)])
        plsc.subcore_barrier()

        def issue(jj, k):
            pltpu.async_copy(table_hbm.at[sidx.at[jj, 0]], rows[k], gsem[k])
            pltpu.async_copy(dst_hbm.at[pl.ds(dbase0 + jj * _CHUNK, _CHUNK)],
                             didxs[k], dsem[k])

        def wait_and_scatter(jj, k):
            pltpu.make_async_copy(table_hbm.at[sidx.at[jj, 0]],
                                  rows[k], gsem[k]).wait()
            pltpu.make_async_copy(dst_hbm.at[pl.ds(dbase0 + jj * _CHUNK, _CHUNK)],
                                  didxs[k], dsem[k]).wait()
            pltpu.sync_copy(rows[k], acc.at[didxs[k]], add=True)

        for k in range(_DEPTH):
            issue(k, k)

        def step(q, carry):
            j = q * _DEPTH
            for k in range(_DEPTH):
                wait_and_scatter(j + k, k)
                issue(j + k + _DEPTH, k)
            return carry

        lax.fori_loop(0, n_quads - 1, step, 0)
        j = (n_quads - 1) * _DEPTH
        for k in range(_DEPTH):
            wait_and_scatter(j + k, k)

        plsc.subcore_barrier()
        pltpu.sync_copy(acc.at[pl.ds(r0, rows_out)],
                        out_hbm.at[c, pl.ds(r0, rows_out)])

    return pl.kernel(body, mesh=mesh, out_type=out_type, scratch_types=scratch)


def _deg_sc(n_acc, e_pad, dw=128):
    per_w = e_pad // (_N_SUB * _N_CORE)
    n_chunks = per_w // _CHUNK
    rows_out = n_acc // _N_SUB

    mesh = plsc.VectorSubcoreMesh(core_axis_name="c", subcore_axis_name="s")

    def body(dst_hbm, zrow_hbm, ones_hbm, out_hbm, didx, ones_v, acc):
        c = lax.axis_index("c")
        s = lax.axis_index("s")
        r0 = s * rows_out
        dbase0 = (c * _N_SUB + s) * per_w
        pltpu.sync_copy(zrow_hbm, acc.at[pl.ds(r0, rows_out)])
        pltpu.sync_copy(ones_hbm, ones_v)
        plsc.subcore_barrier()

        def step(i, carry):
            pltpu.sync_copy(dst_hbm.at[pl.ds(dbase0 + i * _CHUNK, _CHUNK)], didx)
            pltpu.sync_copy(ones_v, acc.at[didx], add=True)
            return carry

        lax.fori_loop(0, n_chunks, step, 0)
        plsc.subcore_barrier()
        pltpu.sync_copy(acc.at[pl.ds(r0, rows_out)],
                        out_hbm.at[c, pl.ds(r0, rows_out)])

    return pl.kernel(
        body, mesh=mesh,
        out_type=jax.ShapeDtypeStruct((_N_CORE, n_acc, dw), jnp.float32),
        scratch_types=[
            pltpu.VMEM((_CHUNK,), jnp.int32),
            pltpu.VMEM((_CHUNK, dw), jnp.float32),
            pltpu.VMEM_SHARED((n_acc, dw), jnp.float32),
        ])


def _mm_stacked(x, wl, nb=10):
    n, din = x.shape
    dh = wl.shape[1]
    bh = dh // 2
    rb = n // nb

    def bodyf(x_ref, wl_ref, p_ref):
        p_ref[...] = jnp.dot(x_ref[...], wl_ref[...],
                             preferred_element_type=jnp.float32)

    return pl.pallas_call(
        bodyf,
        grid=(2, nb),
        in_specs=[
            pl.BlockSpec((rb, din), lambda c, b: (b, 0)),
            pl.BlockSpec((din, bh), lambda c, b: (0, c)),
        ],
        out_specs=pl.BlockSpec((rb, bh), lambda c, b: (c * nb + b, 0)),
        out_shape=jax.ShapeDtypeStruct((2 * n, bh), jnp.float32),
    )(x, wl)


def _mm(x, w, nb=10):
    n, din = x.shape
    dw = w.shape[1]
    rb = n // nb

    def bodyf(x_ref, w_ref, o_ref):
        o_ref[...] = jnp.dot(x_ref[...], w_ref[...],
                             preferred_element_type=jnp.float32)

    return pl.pallas_call(
        bodyf,
        grid=(nb,),
        in_specs=[
            pl.BlockSpec((rb, din), lambda b: (b, 0)),
            pl.BlockSpec((din, dw), lambda b: (0, 0)),
        ],
        out_specs=pl.BlockSpec((rb, dw), lambda b: (b, 0)),
        out_shape=jax.ShapeDtypeStruct((n, dw), jnp.float32),
    )(x, w)


def _combine_h(agg_a, agg_b, deg_a, deg_b, xr, b1, nb=10):
    n, bh = agg_a.shape
    dh = xr.shape[1]
    rb = n // nb

    def bodyf(aa, ab, da, db, xrr, b1r, h_ref):
        d = jnp.maximum(da[:, :1] + db[:, :1], 1.0)
        aggc = jnp.concatenate([aa[...], ab[...]], axis=1)
        h_ref[...] = jnp.maximum(aggc / d + xrr[...] + b1r[...], 0.0)

    return pl.pallas_call(
        bodyf,
        grid=(nb,),
        in_specs=[
            pl.BlockSpec((rb, bh), lambda b: (b, 0)),
            pl.BlockSpec((rb, bh), lambda b: (b, 0)),
            pl.BlockSpec((rb, deg_a.shape[1]), lambda b: (b, 0)),
            pl.BlockSpec((rb, deg_b.shape[1]), lambda b: (b, 0)),
            pl.BlockSpec((rb, dh), lambda b: (b, 0)),
            pl.BlockSpec((1, dh), lambda b: (0, 0)),
        ],
        out_specs=pl.BlockSpec((rb, dh), lambda b: (b, 0)),
        out_shape=jax.ShapeDtypeStruct((n, dh), jnp.float32),
    )(agg_a, agg_b, deg_a, deg_b, xr, b1)


def _combine_out(a2a, a2b, deg_a, deg_b, hr, b2, nb=10):
    n, do = hr.shape
    rb = n // nb

    def bodyf(aa, ab, da, db, hrr, b2r, o_ref):
        d = jnp.maximum(da[:, :1] + db[:, :1], 1.0)
        o_ref[...] = (aa[...] + ab[...]) / d + hrr[...] + b2r[...]

    return pl.pallas_call(
        bodyf,
        grid=(nb,),
        in_specs=[
            pl.BlockSpec((rb, do), lambda b: (b, 0)),
            pl.BlockSpec((rb, do), lambda b: (b, 0)),
            pl.BlockSpec((rb, deg_a.shape[1]), lambda b: (b, 0)),
            pl.BlockSpec((rb, deg_b.shape[1]), lambda b: (b, 0)),
            pl.BlockSpec((rb, do), lambda b: (b, 0)),
            pl.BlockSpec((1, do), lambda b: (0, 0)),
        ],
        out_specs=pl.BlockSpec((rb, do), lambda b: (b, 0)),
        out_shape=jax.ShapeDtypeStruct((n, do), jnp.float32),
    )(a2a, a2b, deg_a, deg_b, hr, b2)


def kernel(x, edge_index, W1l, b1, W1r, W2l, b2, W2r):
    n, din = x.shape
    e = edge_index.shape[1]
    dh = W1l.shape[1]
    do = W2l.shape[1]

    epc = _N_SUB * _N_CORE * _CHUNK
    e_pad = ((e + epc - 1) // epc) * epc
    n_acc = ((n + 1 + _N_SUB * 8 - 1) // (_N_SUB * 8)) * (_N_SUB * 8)
    rows_out = n_acc // _N_SUB

    src = edge_index[0].astype(jnp.int32)
    dst = edge_index[1].astype(jnp.int32)
    pad = e_pad - e
    src_p = jnp.concatenate([src, jnp.zeros((pad,), jnp.int32)])
    dst_p = jnp.concatenate([dst, jnp.full((pad,), n, jnp.int32)])
    src_stack = jnp.concatenate([src_p, src_p + n]).reshape(-1, 1, _CHUNK)
    src_p2 = src_p.reshape(-1, 1, _CHUNK)

    zrow1 = jnp.zeros((rows_out, dh // 2), jnp.float32)
    ones_h = jnp.ones((_CHUNK, 128), jnp.float32)

    degf = _deg_sc(n_acc, e_pad)(dst_p, zrow1, ones_h)
    deg_a = degf[0, :n]
    deg_b = degf[1, :n]

    p1 = _mm_stacked(x, W1l)
    xr = _mm(x, W1r)
    agg1 = _seg_sum_sc(n, n_acc, e_pad, dh // 2, True)(
        src_stack, dst_p, p1, zrow1)
    a1a = agg1[0, :n]
    a1b = agg1[1, :n]

    h = _combine_h(a1a, a1b, deg_a, deg_b, xr, b1.reshape(1, dh))
    p2 = _mm(h, W2l)
    hr = _mm(h, W2r)
    zrow2 = jnp.zeros((rows_out, do), jnp.float32)
    agg2 = _seg_sum_sc(n, n_acc, e_pad, do, False)(
        src_p2, dst_p, p2, zrow2)
    a2a = agg2[0, :n]
    a2b = agg2[1, :n]

    return _combine_out(a2a, a2b, deg_a, deg_b, hr, b2.reshape(1, do))

# --- scband reference (transcript-rebuilt; emitter-appended) ---
"""Pipeline reference for scband-graph-sage-26225070310147 (READ-ONLY COPY).

The authoritative reference and input builder live on the scoring server;
editing this copy changes nothing except your own understanding.
"""

import jax, jax.numpy as jnp
import numpy as np

N_NODES = 10000
N_EDGES = 160000
D_IN = 256
D_HID = 256
D_OUT = 128


def setup_inputs(seed: int = 0) -> dict:
    key = jax.random.key(seed)
    ks = jax.random.split(key, 8)
    x = jax.random.normal(ks[0], (N_NODES, D_IN), dtype=jnp.float32)
    edge_index = jax.random.randint(ks[1], (2, N_EDGES), 0, N_NODES, dtype=jnp.int64 if jax.config.read('jax_enable_x64') else jnp.int32)
    s1 = 1.0 / np.sqrt(D_IN)
    s2 = 1.0 / np.sqrt(D_HID)
    W1l = jax.random.uniform(ks[2], (D_IN, D_HID), dtype=jnp.float32, minval=-s1, maxval=s1)
    b1 = jnp.zeros((D_HID,), dtype=jnp.float32)
    W1r = jax.random.uniform(ks[3], (D_IN, D_HID), dtype=jnp.float32, minval=-s1, maxval=s1)
    W2l = jax.random.uniform(ks[4], (D_HID, D_OUT), dtype=jnp.float32, minval=-s2, maxval=s2)
    b2 = jnp.zeros((D_OUT,), dtype=jnp.float32)
    W2r = jax.random.uniform(ks[5], (D_HID, D_OUT), dtype=jnp.float32, minval=-s2, maxval=s2)
    return {"x": x, "edge_index": edge_index, "W1l": W1l, "b1": b1, "W1r": W1r, "W2l": W2l, "b2": b2, "W2r": W2r}


def _sage_conv(x, edge_index, Wl, b, Wr):
    # PyG SAGEConv (mean aggr): out = lin_l(mean_j x_j) + lin_r(x_i); bias on lin_l only
    src = edge_index[0]
    dst = edge_index[1]
    n = x.shape[0]
    msg = jnp.take(x, src, axis=0)
    agg = jax.ops.segment_sum(msg, dst, num_segments=n)
    deg = jax.ops.segment_sum(jnp.ones((edge_index.shape[1],), dtype=x.dtype), dst, num_segments=n)
    mean = agg / jnp.maximum(deg, 1.0)[:, None]
    return mean @ Wl + b + x @ Wr


def reference(x, edge_index, W1l, b1, W1r, W2l, b2, W2r):
    # two_layers=True branch: conv1b -> relu -> conv2b
    h = _sage_conv(x, edge_index, W1l, b1, W1r)
    h = jax.nn.relu(h)
    out = _sage_conv(h, edge_index, W2l, b2, W2r)
    return out

if __name__ == "__main__":
    import jax
    _d = setup_inputs()
    print(jax.jit(kernel)(*tuple(_d.values())))

</pallas_src>

<mosaic_0001>
#map = affine_map<(d0, d1) -> (0, 0, 0)>
#map1 = affine_map<(d0, d1) -> (0)>
#map2 = affine_map<(d0, d1) -> (0, 0)>
module attributes {stable_mosaic.version = 14 : i64} {
  func.func @body(%arg0: i32, %arg1: i32, %arg2: memref<1280x1x128xi32, #tpu.memory_space<hbm>>, %arg3: memref<163840xi32, #tpu.memory_space<hbm>>, %arg4: memref<10000x128xf32, #tpu.memory_space<hbm>>, %arg5: memref<632x128xf32, #tpu.memory_space<hbm>>, %arg6: memref<2x10112x128xf32, #tpu.memory_space<hbm>>, %arg7: memref<40x1x128xi32, #tpu.memory_space<vmem>>, %arg8: memref<128xi32, #tpu.memory_space<vmem>>, %arg9: memref<128xi32, #tpu.memory_space<vmem>>, %arg10: memref<128x128xf32, #tpu.memory_space<vmem>>, %arg11: memref<128x128xf32, #tpu.memory_space<vmem>>, %arg12: memref<10112x128xf32, #tpu.memory_space<vmem_shared>>, %arg13: memref<!tpu.dma_semaphore, #tpu.memory_space<semaphore_mem>>, %arg14: memref<!tpu.dma_semaphore, #tpu.memory_space<semaphore_mem>>, %arg15: memref<!tpu.dma_semaphore, #tpu.memory_space<semaphore_mem>>, %arg16: memref<!tpu.dma_semaphore, #tpu.memory_space<semaphore_mem>>) attributes {dimension_semantics = [#tpu.dimension_semantics<core_parallel>, #tpu.dimension_semantics<subcore_parallel>], iteration_bounds = array<i64: 2, 16>, scalar_prefetch = 0 : i64, scratch_operands = 10 : i64, tpu.core_type = #tpu.core_type<sc_vector_subcore>, window_params = [{transform_indices = #map}, {transform_indices = #map1}, {transform_indices = #map2}, {transform_indices = #map2}, {transform_indices = #map}]} {
    %mul3A = arith.constant 632 : i32
    %mul3A_0 = arith.muli %arg1, %mul3A : i32
    %mul3A_1 = arith.constant 16 : i32
    %mul3A_2 = arith.muli %arg0, %mul3A_1 : i32
    %add3A = arith.addi %mul3A_2, %arg1 : i32
    %mul3A_3 = arith.constant 40 : i32
    %mul3A_4 = arith.muli %add3A, %mul3A_3 : i32
    %mul3A_5 = arith.constant 16 : i32
    %mul3A_6 = arith.muli %arg0, %mul3A_5 : i32
    %add3A_7 = arith.addi %mul3A_6, %arg1 : i32
    %mul3A_8 = arith.constant 5120 : i32
    %mul3A_9 = arith.muli %add3A_7, %mul3A_8 : i32
    "tpu.region"() ({
      %run_scoped3A = tpu.sem_alloc : memref<!tpu.dma_semaphore, #tpu.memory_space<semaphore_mem>>
      %dma_start3A_62 = arith.constant 0 : i32
      %dma_start3A_63 = arith.constant 0 : i32
      %dma_start3A_64 = tpu.memref_slice %arg2[%mul3A_4, %dma_start3A_62, %dma_start3A_63] : memref<1280x1x128xi32, #tpu.memory_space<hbm>> -> memref<40x1x128xi32, #tpu.memory_space<hbm>>
      %dma_start3A_65 = arith.constant 0 : i32
      %dma_start3A_66 = arith.constant 0 : i32
      %dma_start3A_67 = tpu.memref_slice %arg2[%mul3A_4, %dma_start3A_65, %dma_start3A_66] : memref<1280x1x128xi32, #tpu.memory_space<hbm>> -> memref<40x1x128xi32, #tpu.memory_space<hbm>>
      tpu.enqueue_dma source(%dma_start3A_67 : memref<40x1x128xi32, #tpu.memory_space<hbm>>) target(%arg7 : memref<40x1x128xi32, #tpu.memory_space<vmem>>) target_semaphore(%run_scoped3A : memref<!tpu.dma_semaphore, #tpu.memory_space<semaphore_mem>>)
      %dma_wait3A_68 = arith.constant 0 : i32
      %dma_wait3A_69 = arith.constant 0 : i32
      %dma_wait3A_70 = tpu.memref_slice %arg2[%mul3A_4, %dma_wait3A_68, %dma_wait3A_69] : memref<1280x1x128xi32, #tpu.memory_space<hbm>> -> memref<40x1x128xi32, #tpu.memory_space<hbm>>
      %dma_wait3A_71 = arith.constant 0 : i32
      %dma_wait3A_72 = arith.constant 0 : i32
      %dma_wait3A_73 = tpu.memref_slice %arg2[%mul3A_4, %dma_wait3A_71, %dma_wait3A_72] : memref<1280x1x128xi32, #tpu.memory_space<hbm>> -> memref<40x1x128xi32, #tpu.memory_space<hbm>>
      tpu.wait_dma2 semaphore(%run_scoped3A : memref<!tpu.dma_semaphore, #tpu.memory_space<semaphore_mem>>) src(%dma_wait3A_73 : memref<40x1x128xi32, #tpu.memory_space<hbm>>) dst(%arg7 : memref<40x1x128xi32, #tpu.memory_space<vmem>>)
      tpu.yield
    }) : () -> ()
    "tpu.region"() ({
      %run_scoped3A = tpu.sem_alloc : memref<!tpu.dma_semaphore, #tpu.memory_space<semaphore_mem>>
      %dma_start3A_62 = arith.constant 0 : i32
      %dma_start3A_63 = tpu.memref_slice %arg12[%mul3A_0, %dma_start3A_62] : memref<10112x128xf32, #tpu.memory_space<vmem_shared>> -> memref<632x128xf32, #tpu.memory_space<vmem_shared>>
      tpu.enqueue_dma source(%arg5 : memref<632x128xf32, #tpu.memory_space<hbm>>) target(%dma_start3A_63 : memref<632x128xf32, #tpu.memory_space<vmem_shared>>) target_semaphore(%run_scoped3A : memref<!tpu.dma_semaphore, #tpu.memory_space<semaphore_mem>>)
      %dma_wait3A_64 = arith.constant 0 : i32
      %dma_wait3A_65 = tpu.memref_slice %arg12[%mul3A_0, %dma_wait3A_64] : memref<10112x128xf32, #tpu.memory_space<vmem_shared>> -> memref<632x128xf32, #tpu.memory_space<vmem_shared>>
      tpu.wait_dma2 semaphore(%run_scoped3A : memref<!tpu.dma_semaphore, #tpu.memory_space<semaphore_mem>>) src(%arg5 : memref<632x128xf32, #tpu.memory_space<hbm>>) dst(%dma_wait3A_65 : memref<632x128xf32, #tpu.memory_space<vmem_shared>>)
      tpu.yield
    }) : () -> ()
    %barrier3A = arith.constant 0 : index
    tpu.barrier barrier_id(%barrier3A)
    %dma_start3A = arith.constant 0 : i32
    %dma_start3A_10 = arith.constant 0 : i32
    %dma_start3A_11 = arith.constant 0 : i32
    %dma_start3A_12 = tpu.memref_slice %arg7[%dma_start3A, %dma_start3A_10, %dma_start3A_11] : memref<40x1x128xi32, #tpu.memory_space<vmem>> -> memref<1x1x128xi32, #tpu.memory_space<vmem>>
    %dma_start3A_13 = tpu.memref_squeeze %dma_start3A_12 : memref<1x1x128xi32, #tpu.memory_space<vmem>> -> memref<128xi32, #tpu.memory_space<vmem>>
    %dma_start3A_14 = arith.constant 0 : i32
    %dma_start3A_15 = arith.constant 0 : i32
    %dma_start3A_16 = tpu.memref_slice %arg4[%dma_start3A_14, %dma_start3A_15] : memref<10000x128xf32, #tpu.memory_space<hbm>> -> memref<10000x128xf32, #tpu.memory_space<hbm>>
    tpu.enqueue_indirect_dma source(%dma_start3A_16 : memref<10000x128xf32, #tpu.memory_space<hbm>>) target(%arg10 : memref<128x128xf32, #tpu.memory_space<vmem>>) offsets(%dma_start3A_13 : memref<128xi32, #tpu.memory_space<vmem>>) semaphore(%arg13 : memref<!tpu.dma_semaphore, #tpu.memory_space<semaphore_mem>>)
    %add3A_17 = arith.constant 0 : i32
    %add3A_18 = arith.addi %mul3A_9, %add3A_17 : i32
    %dma_start3A_19 = tpu.memref_slice %arg3[%add3A_18] : memref<163840xi32, #tpu.memory_space<hbm>> -> memref<128xi32, #tpu.memory_space<hbm>>
    %dma_start3A_20 = tpu.memref_slice %arg3[%add3A_18] : memref<163840xi32, #tpu.memory_space<hbm>> -> memref<128xi32, #tpu.memory_space<hbm>>
    tpu.enqueue_dma source(%dma_start3A_20 : memref<128xi32, #tpu.memory_space<hbm>>) target(%arg8 : memref<128xi32, #tpu.memory_space<vmem>>) target_semaphore(%arg15 : memref<!tpu.dma_semaphore, #tpu.memory_space<semaphore_mem>>)
    %dma_start3A_21 = arith.constant 1 : i32
    %dma_start3A_22 = arith.constant 0 : i32
    %dma_start3A_23 = arith.constant 0 : i32
    %dma_start3A_24 = tpu.memref_slice %arg7[%dma_start3A_21, %dma_start3A_22, %dma_start3A_23] : memref<40x1x128xi32, #tpu.memory_space<vmem>> -> memref<1x1x128xi32, #tpu.memory_space<vmem>>
    %dma_start3A_25 = tpu.memref_squeeze %dma_start3A_24 : memref<1x1x128xi32, #tpu.memory_space<vmem>> -> memref<128xi32, #tpu.memory_space<vmem>>
    %dma_start3A_26 = arith.constant 0 : i32
    %dma_start3A_27 = arith.constant 0 : i32
    %dma_start3A_28 = tpu.memref_slice %arg4[%dma_start3A_26, %dma_start3A_27] : memref<10000x128xf32, #tpu.memory_space<hbm>> -> memref<10000x128xf32, #tpu.memory_space<hbm>>
    tpu.enqueue_indirect_dma source(%dma_start3A_28 : memref<10000x128xf32, #tpu.memory_space<hbm>>) target(%arg11 : memref<128x128xf32, #tpu.memory_space<vmem>>) offsets(%dma_start3A_25 : memref<128xi32, #tpu.memory_space<vmem>>) semaphore(%arg14 : memref<!tpu.dma_semaphore, #tpu.memory_space<semaphore_mem>>)
    %add3A_29 = arith.constant 128 : i32
    %add3A_30 = arith.addi %mul3A_9, %add3A_29 : i32
    %dma_start3A_31 = tpu.memref_slice %arg3[%add3A_30] : memref<163840xi32, #tpu.memory_space<hbm>> -> memref<128xi32, #tpu.memory_space<hbm>>
    %dma_start3A_32 = tpu.memref_slice %arg3[%add3A_30] : memref<163840xi32, #tpu.memory_space<hbm>> -> memref<128xi32, #tpu.memory_space<hbm>>
    tpu.enqueue_dma source(%dma_start3A_32 : memref<128xi32, #tpu.memory_space<hbm>>) target(%arg9 : memref<128xi32, #tpu.memory_space<vmem>>) target_semaphore(%arg16 : memref<!tpu.dma_semaphore, #tpu.memory_space<semaphore_mem>>)
    %scan3A = arith.constant 0 : i32
    %scan3A_33 = arith.constant 0 : i32
    %scan3A_34 = arith.constant 19 : i32
    %scan3A_35 = arith.addi %scan3A_33, %scan3A_34 : i32
    %scan3A_36 = arith.constant 1 : i32
    scf.for %scan3A_62 = %scan3A_33 to %scan3A_35 step %scan3A_36  : i32 {
      %mul3A_63 = arith.constant 2 : i32
      %mul3A_64 = arith.muli %scan3A_62, %mul3A_63 : i32
      %add3A_65 = arith.constant 0 : i32
      %add3A_66 = arith.addi %mul3A_64, %add3A_65 : i32
      %dma_wait3A_67 = arith.constant 0 : i32
      %dma_wait3A_68 = arith.constant 0 : i32
      %dma_wait3A_69 = tpu.memref_slice %arg7[%add3A_66, %dma_wait3A_67, %dma_wait3A_68] : memref<40x1x128xi32, #tpu.memory_space<vmem>> -> memref<1x1x128xi32, #tpu.memory_space<vmem>>
      %dma_wait3A_70 = tpu.memref_squeeze %dma_wait3A_69 : memref<1x1x128xi32, #tpu.memory_space<vmem>> -> memref<128xi32, #tpu.memory_space<vmem>>
      %dma_wait3A_71 = arith.constant 0 : i32
      %dma_wait3A_72 = arith.constant 0 : i32
      %dma_wait3A_73 = tpu.memref_slice %arg4[%dma_wait3A_71, %dma_wait3A_72] : memref<10000x128xf32, #tpu.memory_space<hbm>> -> memref<10000x128xf32, #tpu.memory_space<hbm>>
      tpu.wait_indirect_dma semaphore(%arg13 : memref<!tpu.dma_semaphore, #tpu.memory_space<semaphore_mem>>) src(%dma_wait3A_73 : memref<10000x128xf32, #tpu.memory_space<hbm>>) dst(%arg10 : memref<128x128xf32, #tpu.memory_space<vmem>>)
      %mul3A_74 = arith.constant 128 : i32
      %mul3A_75 = arith.muli %add3A_66, %mul3A_74 : i32
      %add3A_76 = arith.addi %mul3A_9, %mul3A_75 : i32
      %dma_wait3A_77 = tpu.memref_slice %arg3[%add3A_76] : memref<163840xi32, #tpu.memory_space<hbm>> -> memref<128xi32, #tpu.memory_space<hbm>>
      %dma_wait3A_78 = tpu.memref_slice %arg3[%add3A_76] : memref<163840xi32, #tpu.memory_space<hbm>> -> memref<128xi32, #tpu.memory_space<hbm>>
      tpu.wait_dma2 semaphore(%arg15 : memref<!tpu.dma_semaphore, #tpu.memory_space<semaphore_mem>>) src(%dma_wait3A_78 : memref<128xi32, #tpu.memory_space<hbm>>) dst(%arg8 : memref<128xi32, #tpu.memory_space<vmem>>)
      "tpu.region"() ({
        %run_scoped3A = tpu.sem_alloc : memref<!tpu.dma_semaphore, #tpu.memory_space<semaphore_mem>>
        %dma_start3A_125 = arith.constant 0 : i32
        %dma_start3A_126 = arith.constant 0 : i32
        %dma_start3A_127 = tpu.memref_slice %arg12[%dma_start3A_125, %dma_start3A_126] : memref<10112x128xf32, #tpu.memory_space<vmem_shared>> -> memref<10112x128xf32, #tpu.memory_space<vmem_shared>>
        tpu.enqueue_indirect_dma source(%arg10 : memref<128x128xf32, #tpu.memory_space<vmem>>) target(%dma_start3A_127 : memref<10112x128xf32, #tpu.memory_space<vmem_shared>>) offsets(%arg8 : memref<128xi32, #tpu.memory_space<vmem>>) semaphore(%run_scoped3A : memref<!tpu.dma_semaphore, #tpu.memory_space<semaphore_mem>>) {add = true}
        %dma_wait3A_128 = arith.constant 0 : i32
        %dma_wait3A_129 = arith.constant 0 : i32
        %dma_wait3A_130 = tpu.memref_slice %arg12[%dma_wait3A_128, %dma_wait3A_129] : memref<10112x128xf32, #tpu.memory_space<vmem_shared>> -> memref<10112x128xf32, #tpu.memory_space<vmem_shared>>
        tpu.wait_indirect_dma semaphore(%run_scoped3A : memref<!tpu.dma_semaphore, #tpu.memory_space<semaphore_mem>>) src(%arg10 : memref<128x128xf32, #tpu.memory_space<vmem>>) dst(%dma_wait3A_130 : memref<10112x128xf32, #tpu.memory_space<vmem_shared>>)
        tpu.yield
      }) : () -> ()
      %add3A_79 = arith.constant 0 : i32
      %add3A_80 = arith.addi %mul3A_64, %add3A_79 : i32
      %add3A_81 = arith.constant 2 : i32
      %add3A_82 = arith.addi %add3A_80, %add3A_81 : i32
      %dma_start3A_83 = arith.constant 0 : i32
      %dma_start3A_84 = arith.constant 0 : i32
      %dma_start3A_85 = tpu.memref_slice %arg7[%add3A_82, %dma_start3A_83, %dma_start3A_84] : memref<40x1x128xi32, #tpu.memory_space<vmem>> -> memref<1x1x128xi32, #tpu.memory_space<vmem>>
      %dma_start3A_86 = tpu.memref_squeeze %dma_start3A_85 : memref<1x1x128xi32, #tpu.memory_space<vmem>> -> memref<128xi32, #tpu.memory_space<vmem>>
      %dma_start3A_87 = arith.constant 0 : i32
      %dma_start3A_88 = arith.constant 0 : i32
      %dma_start3A_89 = tpu.memref_slice %arg4[%dma_start3A_87, %dma_start3A_88] : memref<10000x128xf32, #tpu.memory_space<hbm>> -> memref<10000x128xf32, #tpu.memory_space<hbm>>
      tpu.enqueue_indirect_dma source(%dma_start3A_89 : memref<10000x128xf32, #tpu.memory_space<hbm>>) target(%arg10 : memref<128x128xf32, #tpu.memory_space<vmem>>) offsets(%dma_start3A_86 : memref<128xi32, #tpu.memory_space<vmem>>) semaphore(%arg13 : memref<!tpu.dma_semaphore, #tpu.memory_space<semaphore_mem>>)
      %mul3A_90 = arith.constant 128 : i32
      %mul3A_91 = arith.muli %add3A_82, %mul3A_90 : i32
      %add3A_92 = arith.addi %mul3A_9, %mul3A_91 : i32
      %dma_start3A_93 = tpu.memref_slice %arg3[%add3A_92] : memref<163840xi32, #tpu.memory_space<hbm>> -> memref<128xi32, #tpu.memory_space<hbm>>
      %dma_start3A_94 = tpu.memref_slice %arg3[%add3A_92] : memref<163840xi32, #tpu.memory_space<hbm>> -> memref<128xi32, #tpu.memory_space<hbm>>
      tpu.enqueue_dma source(%dma_start3A_94 : memref<128xi32, #tpu.memory_space<hbm>>) target(%arg8 : memref<128xi32, #tpu.memory_space<vmem>>) target_semaphore(%arg15 : memref<!tpu.dma_semaphore, #tpu.memory_space<semaphore_mem>>)
      %add3A_95 = arith.constant 1 : i32
      %add3A_96 = arith.addi %mul3A_64, %add3A_95 : i32
      %dma_wait3A_97 = arith.constant 0 : i32
      %dma_wait3A_98 = arith.constant 0 : i32
      %dma_wait3A_99 = tpu.memref_slice %arg7[%add3A_96, %dma_wait3A_97, %dma_wait3A_98] : memref<40x1x128xi32, #tpu.memory_space<vmem>> -> memref<1x1x128xi32, #tpu.memory_space<vmem>>
      %dma_wait3A_100 = tpu.memref_squeeze %dma_wait3A_99 : memref<1x1x128xi32, #tpu.memory_space<vmem>> -> memref<128xi32, #tpu.memory_space<vmem>>
      %dma_wait3A_101 = arith.constant 0 : i32
      %dma_wait3A_102 = arith.constant 0 : i32
      %dma_wait3A_103 = tpu.memref_slice %arg4[%dma_wait3A_101, %dma_wait3A_102] : memref<10000x128xf32, #tpu.memory_space<hbm>> -> memref<10000x128xf32, #tpu.memory_space<hbm>>
      tpu.wait_indirect_dma semaphore(%arg14 : memref<!tpu.dma_semaphore, #tpu.memory_space<semaphore_mem>>) src(%dma_wait3A_103 : memref<10000x128xf32, #tpu.memory_space<hbm>>) dst(%arg11 : memref<128x128xf32, #tpu.memory_space<vmem>>)
      %mul3A_104 = arith.constant 128 : i32
      %mul3A_105 = arith.muli %add3A_96, %mul3A_104 : i32
      %add3A_106 = arith.addi %mul3A_9, %mul3A_105 : i32
      %dma_wait3A_107 = tpu.memref_slice %arg3[%add3A_106] : memref<163840xi32, #tpu.memory_space<hbm>> -> memref<128xi32, #tpu.memory_space<hbm>>
      %dma_wait3A_108 = tpu.memref_slice %arg3[%add3A_106] : memref<163840xi32, #tpu.memory_space<hbm>> -> memref<128xi32, #tpu.memory_space<hbm>>
      tpu.wait_dma2 semaphore(%arg16 : memref<!tpu.dma_semaphore, #tpu.memory_space<semaphore_mem>>) src(%dma_wait3A_108 : memref<128xi32, #tpu.memory_space<hbm>>) dst(%arg9 : memref<128xi32, #tpu.memory_space<vmem>>)
      "tpu.region"() ({
        %run_scoped3A = tpu.sem_alloc : memref<!tpu.dma_semaphore, #tpu.memory_space<semaphore_mem>>
        %dma_start3A_125 = arith.constant 0 : i32
        %dma_start3A_126 = arith.constant 0 : i32
        %dma_start3A_127 = tpu.memref_slice %arg12[%dma_start3A_125, %dma_start3A_126] : memref<10112x128xf32, #tpu.memory_space<vmem_shared>> -> memref<10112x128xf32, #tpu.memory_space<vmem_shared>>
        tpu.enqueue_indirect_dma source(%arg11 : memref<128x128xf32, #tpu.memory_space<vmem>>) target(%dma_start3A_127 : memref<10112x128xf32, #tpu.memory_space<vmem_shared>>) offsets(%arg9 : memref<128xi32, #tpu.memory_space<vmem>>) semaphore(%run_scoped3A : memref<!tpu.dma_semaphore, #tpu.memory_space<semaphore_mem>>) {add = true}
        %dma_wait3A_128 = arith.constant 0 : i32
        %dma_wait3A_129 = arith.constant 0 : i32
        %dma_wait3A_130 = tpu.memref_slice %arg12[%dma_wait3A_128, %dma_wait3A_129] : memref<10112x128xf32, #tpu.memory_space<vmem_shared>> -> memref<10112x128xf32, #tpu.memory_space<vmem_shared>>
        tpu.wait_indirect_dma semaphore(%run_scoped3A : memref<!tpu.dma_semaphore, #tpu.memory_space<semaphore_mem>>) src(%arg11 : memref<128x128xf32, #tpu.memory_space<vmem>>) dst(%dma_wait3A_130 : memref<10112x128xf32, #tpu.memory_space<vmem_shared>>)
        tpu.yield
      }) : () -> ()
      %add3A_109 = arith.constant 1 : i32
      %add3A_110 = arith.addi %mul3A_64, %add3A_109 : i32
      %add3A_111 = arith.constant 2 : i32
      %add3A_112 = arith.addi %add3A_110, %add3A_111 : i32
      %dma_start3A_113 = arith.constant 0 : i32
      %dma_start3A_114 = arith.constant 0 : i32
      %dma_start3A_115 = tpu.memref_slice %arg7[%add3A_112, %dma_start3A_113, %dma_start3A_114] : memref<40x1x128xi32, #tpu.memory_space<vmem>> -> memref<1x1x128xi32, #tpu.memory_space<vmem>>
      %dma_start3A_116 = tpu.memref_squeeze %dma_start3A_115 : memref<1x1x128xi32, #tpu.memory_space<vmem>> -> memref<128xi32, #tpu.memory_space<vmem>>
      %dma_start3A_117 = arith.constant 0 : i32
      %dma_start3A_118 = arith.constant 0 : i32
      %dma_start3A_119 = tpu.memref_slice %arg4[%dma_start3A_117, %dma_start3A_118] : memref<10000x128xf32, #tpu.memory_space<hbm>> -> memref<10000x128xf32, #tpu.memory_space<hbm>>
      tpu.enqueue_indirect_dma source(%dma_start3A_119 : memref<10000x128xf32, #tpu.memory_space<hbm>>) target(%arg11 : memref<128x128xf32, #tpu.memory_space<vmem>>) offsets(%dma_start3A_116 : memref<128xi32, #tpu.memory_space<vmem>>) semaphore(%arg14 : memref<!tpu.dma_semaphore, #tpu.memory_space<semaphore_mem>>)
      %mul3A_120 = arith.constant 128 : i32
      %mul3A_121 = arith.muli %add3A_112, %mul3A_120 : i32
      %add3A_122 = arith.addi %mul3A_9, %mul3A_121 : i32
      %dma_start3A_123 = tpu.memref_slice %arg3[%add3A_122] : memref<163840xi32, #tpu.memory_space<hbm>> -> memref<128xi32, #tpu.memory_space<hbm>>
      %dma_start3A_124 = tpu.memref_slice %arg3[%add3A_122] : memref<163840xi32, #tpu.memory_space<hbm>> -> memref<128xi32, #tpu.memory_space<hbm>>
      tpu.enqueue_dma source(%dma_start3A_124 : memref<128xi32, #tpu.memory_space<hbm>>) target(%arg9 : memref<128xi32, #tpu.memory_space<vmem>>) target_semaphore(%arg16 : memref<!tpu.dma_semaphore, #tpu.memory_space<semaphore_mem>>)
    }
    %scan3A_37 = arith.constant 19 : i32
    %dma_wait3A = arith.constant 38 : i32
    %dma_wait3A_38 = arith.constant 0 : i32
    %dma_wait3A_39 = arith.constant 0 : i32
    %dma_wait3A_40 = tpu.memref_slice %arg7[%dma_wait3A, %dma_wait3A_38, %dma_wait3A_39] : memref<40x1x128xi32, #tpu.memory_space<vmem>> -> memref<1x1x128xi32, #tpu.memory_space<vmem>>
    %dma_wait3A_41 = tpu.memref_squeeze %dma_wait3A_40 : memref<1x1x128xi32, #tpu.memory_space<vmem>> -> memref<128xi32, #tpu.memory_space<vmem>>
    %dma_wait3A_42 = arith.constant 0 : i32
    %dma_wait3A_43 = arith.constant 0 : i32
    %dma_wait3A_44 = tpu.memref_slice %arg4[%dma_wait3A_42, %dma_wait3A_43] : memref<10000x128xf32, #tpu.memory_space<hbm>> -> memref<10000x128xf32, #tpu.memory_space<hbm>>
    tpu.wait_indirect_dma semaphore(%arg13 : memref<!tpu.dma_semaphore, #tpu.memory_space<semaphore_mem>>) src(%dma_wait3A_44 : memref<10000x128xf32, #tpu.memory_space<hbm>>) dst(%arg10 : memref<128x128xf32, #tpu.memory_space<vmem>>)
    %add3A_45 = arith.constant 4864 : i32
    %add3A_46 = arith.addi %mul3A_9, %add3A_45 : i32
    %dma_wait3A_47 = tpu.memref_slice %arg3[%add3A_46] : memref<163840xi32, #tpu.memory_space<hbm>> -> memref<128xi32, #tpu.memory_space<hbm>>
    %dma_wait3A_48 = tpu.memref_slice %arg3[%add3A_46] : memref<163840xi32, #tpu.memory_space<hbm>> -> memref<128xi32, #tpu.memory_space<hbm>>
    tpu.wait_dma2 semaphore(%arg15 : memref<!tpu.dma_semaphore, #tpu.memory_space<semaphore_mem>>) src(%dma_wait3A_48 : memref<128xi32, #tpu.memory_space<hbm>>) dst(%arg8 : memref<128xi32, #tpu.memory_space<vmem>>)
    "tpu.region"() ({
      %run_scoped3A = tpu.sem_alloc : memref<!tpu.dma_semaphore, #tpu.memory_space<semaphore_mem>>
      %dma_start3A_62 = arith.constant 0 : i32
      %dma_start3A_63 = arith.constant 0 : i32
      %dma_start3A_64 = tpu.memref_slice %arg12[%dma_start3A_62, %dma_start3A_63] : memref<10112x128xf32, #tpu.memory_space<vmem_shared>> -> memref<10112x128xf32, #tpu.memory_space<vmem_shared>>
      tpu.enqueue_indirect_dma source(%arg10 : memref<128x128xf32, #tpu.memory_space<vmem>>) target(%dma_start3A_64 : memref<10112x128xf32, #tpu.memory_space<vmem_shared>>) offsets(%arg8 : memref<128xi32, #tpu.memory_space<vmem>>) semaphore(%run_scoped3A : memref<!tpu.dma_semaphore, #tpu.memory_space<semaphore_mem>>) {add = true}
      %dma_wait3A_65 = arith.constant 0 : i32
      %dma_wait3A_66 = arith.constant 0 : i32
      %dma_wait3A_67 = tpu.memref_slice %arg12[%dma_wait3A_65, %dma_wait3A_66] : memref<10112x128xf32, #tpu.memory_space<vmem_shared>> -> memref<10112x128xf32, #tpu.memory_space<vmem_shared>>
      tpu.wait_indirect_dma semaphore(%run_scoped3A : memref<!tpu.dma_semaphore, #tpu.memory_space<semaphore_mem>>) src(%arg10 : memref<128x128xf32, #tpu.memory_space<vmem>>) dst(%dma_wait3A_67 : memref<10112x128xf32, #tpu.memory_space<vmem_shared>>)
      tpu.yield
    }) : () -> ()
    %dma_wait3A_49 = arith.constant 39 : i32
    %dma_wait3A_50 = arith.constant 0 : i32
    %dma_wait3A_51 = arith.constant 0 : i32
    %dma_wait3A_52 = tpu.memref_slice %arg7[%dma_wait3A_49, %dma_wait3A_50, %dma_wait3A_51] : memref<40x1x128xi32, #tpu.memory_space<vmem>> -> memref<1x1x128xi32, #tpu.memory_space<vmem>>
    %dma_wait3A_53 = tpu.memref_squeeze %dma_wait3A_52 : memref<1x1x128xi32, #tpu.memory_space<vmem>> -> memref<128xi32, #tpu.memory_space<vmem>>
    %dma_wait3A_54 = arith.constant 0 : i32
    %dma_wait3A_55 = arith.constant 0 : i32
    %dma_wait3A_56 = tpu.memref_slice %arg4[%dma_wait3A_54, %dma_wait3A_55] : memref<10000x128xf32, #tpu.memory_space<hbm>> -> memref<10000x128xf32, #tpu.memory_space<hbm>>
    tpu.wait_indirect_dma semaphore(%arg14 : memref<!tpu.dma_semaphore, #tpu.memory_space<semaphore_mem>>) src(%dma_wait3A_56 : memref<10000x128xf32, #tpu.memory_space<hbm>>) dst(%arg11 : memref<128x128xf32, #tpu.memory_space<vmem>>)
    %add3A_57 = arith.constant 4992 : i32
    %add3A_58 = arith.addi %mul3A_9, %add3A_57 : i32
    %dma_wait3A_59 = tpu.memref_slice %arg3[%add3A_58] : memref<163840xi32, #tpu.memory_space<hbm>> -> memref<128xi32, #tpu.memory_space<hbm>>
    %dma_wait3A_60 = tpu.memref_slice %arg3[%add3A_58] : memref<163840xi32, #tpu.memory_space<hbm>> -> memref<128xi32, #tpu.memory_space<hbm>>
    tpu.wait_dma2 semaphore(%arg16 : memref<!tpu.dma_semaphore, #tpu.memory_space<semaphore_mem>>) src(%dma_wait3A_60 : memref<128xi32, #tpu.memory_space<hbm>>) dst(%arg9 : memref<128xi32, #tpu.memory_space<vmem>>)
    "tpu.region"() ({
      %run_scoped3A = tpu.sem_alloc : memref<!tpu.dma_semaphore, #tpu.memory_space<semaphore_mem>>
      %dma_start3A_62 = arith.constant 0 : i32
      %dma_start3A_63 = arith.constant 0 : i32
      %dma_start3A_64 = tpu.memref_slice %arg12[%dma_start3A_62, %dma_start3A_63] : memref<10112x128xf32, #tpu.memory_space<vmem_shared>> -> memref<10112x128xf32, #tpu.memory_space<vmem_shared>>
      tpu.enqueue_indirect_dma source(%arg11 : memref<128x128xf32, #tpu.memory_space<vmem>>) target(%dma_start3A_64 : memref<10112x128xf32, #tpu.memory_space<vmem_shared>>) offsets(%arg9 : memref<128xi32, #tpu.memory_space<vmem>>) semaphore(%run_scoped3A : memref<!tpu.dma_semaphore, #tpu.memory_space<semaphore_mem>>) {add = true}
      %dma_wait3A_65 = arith.constant 0 : i32
      %dma_wait3A_66 = arith.constant 0 : i32
      %dma_wait3A_67 = tpu.memref_slice %arg12[%dma_wait3A_65, %dma_wait3A_66] : memref<10112x128xf32, #tpu.memory_space<vmem_shared>> -> memref<10112x128xf32, #tpu.memory_space<vmem_shared>>
      tpu.wait_indirect_dma semaphore(%run_scoped3A : memref<!tpu.dma_semaphore, #tpu.memory_space<semaphore_mem>>) src(%arg11 : memref<128x128xf32, #tpu.memory_space<vmem>>) dst(%dma_wait3A_67 : memref<10112x128xf32, #tpu.memory_space<vmem_shared>>)
      tpu.yield
    }) : () -> ()
    %barrier3A_61 = arith.constant 0 : index
    tpu.barrier barrier_id(%barrier3A_61)
    "tpu.region"() ({
      %run_scoped3A = tpu.sem_alloc : memref<!tpu.dma_semaphore, #tpu.memory_space<semaphore_mem>>
      %dma_start3A_62 = arith.constant 0 : i32
      %dma_start3A_63 = tpu.memref_slice %arg6[%arg0, %mul3A_0, %dma_start3A_62] : memref<2x10112x128xf32, #tpu.memory_space<hbm>> -> memref<1x632x128xf32, #tpu.memory_space<hbm>>
      %dma_start3A_64 = tpu.memref_squeeze %dma_start3A_63 : memref<1x632x128xf32, #tpu.memory_space<hbm>> -> memref<632x128xf32, #tpu.memory_space<hbm>>
      %dma_start3A_65 = arith.constant 0 : i32
      %dma_start3A_66 = tpu.memref_slice %arg12[%mul3A_0, %dma_start3A_65] : memref<10112x128xf32, #tpu.memory_space<vmem_shared>> -> memref<632x128xf32, #tpu.memory_space<vmem_shared>>
      tpu.enqueue_dma source(%dma_start3A_66 : memref<632x128xf32, #tpu.memory_space<vmem_shared>>) target(%dma_start3A_64 : memref<632x128xf32, #tpu.memory_space<hbm>>) target_semaphore(%run_scoped3A : memref<!tpu.dma_semaphore, #tpu.memory_space<semaphore_mem>>)
      %dma_wait3A_67 = arith.constant 0 : i32
      %dma_wait3A_68 = tpu.memref_slice %arg6[%arg0, %mul3A_0, %dma_wait3A_67] : memref<2x10112x128xf32, #tpu.memory_space<hbm>> -> memref<1x632x128xf32, #tpu.memory_space<hbm>>
      %dma_wait3A_69 = tpu.memref_squeeze %dma_wait3A_68 : memref<1x632x128xf32, #tpu.memory_space<hbm>> -> memref<632x128xf32, #tpu.memory_space<hbm>>
      %dma_wait3A_70 = arith.constant 0 : i32
      %dma_wait3A_71 = tpu.memref_slice %arg12[%mul3A_0, %dma_wait3A_70] : memref<10112x128xf32, #tpu.memory_space<vmem_shared>> -> memref<632x128xf32, #tpu.memory_space<vmem_shared>>
      tpu.wait_dma2 semaphore(%run_scoped3A : memref<!tpu.dma_semaphore, #tpu.memory_space<semaphore_mem>>) src(%dma_wait3A_71 : memref<632x128xf32, #tpu.memory_space<vmem_shared>>) dst(%dma_wait3A_69 : memref<632x128xf32, #tpu.memory_space<hbm>>)
      tpu.yield
    }) : () -> ()
    return
  }
}

#map = affine_map<(d0, d1) -> (0)>
#map1 = affine_map<(d0, d1) -> (0, 0)>
#map2 = affine_map<(d0, d1) -> (0, 0, 0)>
module attributes {stable_mosaic.version = 14 : i64} {
  func.func @body(%arg0: i32, %arg1: i32, %arg2: memref<163840xi32, #tpu.memory_space<hbm>>, %arg3: memref<632x128xf32, #tpu.memory_space<hbm>>, %arg4: memref<128x128xf32, #tpu.memory_space<hbm>>, %arg5: memref<2x10112x128xf32, #tpu.memory_space<hbm>>, %arg6: memref<128xi32, #tpu.memory_space<vmem>>, %arg7: memref<128x128xf32, #tpu.memory_space<vmem>>, %arg8: memref<10112x128xf32, #tpu.memory_space<vmem_shared>>) attributes {dimension_semantics = [#tpu.dimension_semantics<core_parallel>, #tpu.dimension_semantics<subcore_parallel>], iteration_bounds = array<i64: 2, 16>, scalar_prefetch = 0 : i64, scratch_operands = 3 : i64, tpu.core_type = #tpu.core_type<sc_vector_subcore>, window_params = [{transform_indices = #map}, {transform_indices = #map1}, {transform_indices = #map1}, {transform_indices = #map2}]} {
    %mul3A = arith.constant 632 : i32
    %mul3A_0 = arith.muli %arg1, %mul3A : i32
    %mul3A_1 = arith.constant 16 : i32
    %mul3A_2 = arith.muli %arg0, %mul3A_1 : i32
    %add3A = arith.addi %mul3A_2, %arg1 : i32
    %mul3A_3 = arith.constant 5120 : i32
    %mul3A_4 = arith.muli %add3A, %mul3A_3 : i32
    "tpu.region"() ({
      %run_scoped3A = tpu.sem_alloc : memref<!tpu.dma_semaphore, #tpu.memory_space<semaphore_mem>>
      %dma_start3A = arith.constant 0 : i32
      %dma_start3A_11 = tpu.memref_slice %arg8[%mul3A_0, %dma_start3A] : memref<10112x128xf32, #tpu.memory_space<vmem_shared>> -> memref<632x128xf32, #tpu.memory_space<vmem_shared>>
      tpu.enqueue_dma source(%arg3 : memref<632x128xf32, #tpu.memory_space<hbm>>) target(%dma_start3A_11 : memref<632x128xf32, #tpu.memory_space<vmem_shared>>) target_semaphore(%run_scoped3A : memref<!tpu.dma_semaphore, #tpu.memory_space<semaphore_mem>>)
      %dma_wait3A = arith.constant 0 : i32
      %dma_wait3A_12 = tpu.memref_slice %arg8[%mul3A_0, %dma_wait3A] : memref<10112x128xf32, #tpu.memory_space<vmem_shared>> -> memref<632x128xf32, #tpu.memory_space<vmem_shared>>
      tpu.wait_dma2 semaphore(%run_scoped3A : memref<!tpu.dma_semaphore, #tpu.memory_space<semaphore_mem>>) src(%arg3 : memref<632x128xf32, #tpu.memory_space<hbm>>) dst(%dma_wait3A_12 : memref<632x128xf32, #tpu.memory_space<vmem_shared>>)
      tpu.yield
    }) : () -> ()
    "tpu.region"() ({
      %run_scoped3A = tpu.sem_alloc : memref<!tpu.dma_semaphore, #tpu.memory_space<semaphore_mem>>
      tpu.enqueue_dma source(%arg4 : memref<128x128xf32, #tpu.memory_space<hbm>>) target(%arg7 : memref<128x128xf32, #tpu.memory_space<vmem>>) target_semaphore(%run_scoped3A : memref<!tpu.dma_semaphore, #tpu.memory_space<semaphore_mem>>)
      tpu.wait_dma2 semaphore(%run_scoped3A : memref<!tpu.dma_semaphore, #tpu.memory_space<semaphore_mem>>) src(%arg4 : memref<128x128xf32, #tpu.memory_space<hbm>>) dst(%arg7 : memref<128x128xf32, #tpu.memory_space<vmem>>)
      tpu.yield
    }) : () -> ()
    %barrier3A = arith.constant 0 : index
    tpu.barrier barrier_id(%barrier3A)
    %scan3A = arith.constant 0 : i32
    %scan3A_5 = arith.constant 0 : i32
    %scan3A_6 = arith.constant 40 : i32
    %scan3A_7 = arith.addi %scan3A_5, %scan3A_6 : i32
    %scan3A_8 = arith.constant 1 : i32
    scf.for %scan3A_11 = %scan3A_5 to %scan3A_7 step %scan3A_8  : i32 {
      %mul3A_12 = arith.constant 128 : i32
      %mul3A_13 = arith.muli %scan3A_11, %mul3A_12 : i32
      %add3A_14 = arith.addi %mul3A_4, %mul3A_13 : i32
      "tpu.region"() ({
        %run_scoped3A = tpu.sem_alloc : memref<!tpu.dma_semaphore, #tpu.memory_space<semaphore_mem>>
        %dma_start3A = tpu.memref_slice %arg2[%add3A_14] : memref<163840xi32, #tpu.memory_space<hbm>> -> memref<128xi32, #tpu.memory_space<hbm>>
        %dma_start3A_15 = tpu.memref_slice %arg2[%add3A_14] : memref<163840xi32, #tpu.memory_space<hbm>> -> memref<128xi32, #tpu.memory_space<hbm>>
        tpu.enqueue_dma source(%dma_start3A_15 : memref<128xi32, #tpu.memory_space<hbm>>) target(%arg6 : memref<128xi32, #tpu.memory_space<vmem>>) target_semaphore(%run_scoped3A : memref<!tpu.dma_semaphore, #tpu.memory_space<semaphore_mem>>)
        %dma_wait3A = tpu.memref_slice %arg2[%add3A_14] : memref<163840xi32, #tpu.memory_space<hbm>> -> memref<128xi32, #tpu.memory_space<hbm>>
        %dma_wait3A_16 = tpu.memref_slice %arg2[%add3A_14] : memref<163840xi32, #tpu.memory_space<hbm>> -> memref<128xi32, #tpu.memory_space<hbm>>
        tpu.wait_dma2 semaphore(%run_scoped3A : memref<!tpu.dma_semaphore, #tpu.memory_space<semaphore_mem>>) src(%dma_wait3A_16 : memref<128xi32, #tpu.memory_space<hbm>>) dst(%arg6 : memref<128xi32, #tpu.memory_space<vmem>>)
        tpu.yield
      }) : () -> ()
      "tpu.region"() ({
        %run_scoped3A = tpu.sem_alloc : memref<!tpu.dma_semaphore, #tpu.memory_space<semaphore_mem>>
        %dma_start3A = arith.constant 0 : i32
        %dma_start3A_15 = arith.constant 0 : i32
        %dma_start3A_16 = tpu.memref_slice %arg8[%dma_start3A, %dma_start3A_15] : memref<10112x128xf32, #tpu.memory_space<vmem_shared>> -> memref<10112x128xf32, #tpu.memory_space<vmem_shared>>
        tpu.enqueue_indirect_dma source(%arg7 : memref<128x128xf32, #tpu.memory_space<vmem>>) target(%dma_start3A_16 : memref<10112x128xf32, #tpu.memory_space<vmem_shared>>) offsets(%arg6 : memref<128xi32, #tpu.memory_space<vmem>>) semaphore(%run_scoped3A : memref<!tpu.dma_semaphore, #tpu.memory_space<semaphore_mem>>) {add = true}
        %dma_wait3A = arith.constant 0 : i32
        %dma_wait3A_17 = arith.constant 0 : i32
        %dma_wait3A_18 = tpu.memref_slice %arg8[%dma_wait3A, %dma_wait3A_17] : memref<10112x128xf32, #tpu.memory_space<vmem_shared>> -> memref<10112x128xf32, #tpu.memory_space<vmem_shared>>
        tpu.wait_indirect_dma semaphore(%run_scoped3A : memref<!tpu.dma_semaphore, #tpu.memory_space<semaphore_mem>>) src(%arg7 : memref<128x128xf32, #tpu.memory_space<vmem>>) dst(%dma_wait3A_18 : memref<10112x128xf32, #tpu.memory_space<vmem_shared>>)
        tpu.yield
      }) : () -> ()
    }
    %scan3A_9 = arith.constant 40 : i32
    %barrier3A_10 = arith.constant 0 : index
    tpu.barrier barrier_id(%barrier3A_10)
    "tpu.region"() ({
      %run_scoped3A = tpu.sem_alloc : memref<!tpu.dma_semaphore, #tpu.memory_space<semaphore_mem>>
      %dma_start3A = arith.constant 0 : i32
      %dma_start3A_11 = tpu.memref_slice %arg5[%arg0, %mul3A_0, %dma_start3A] : memref<2x10112x128xf32, #tpu.memory_space<hbm>> -> memref<1x632x128xf32, #tpu.memory_space<hbm>>
      %dma_start3A_12 = tpu.memref_squeeze %dma_start3A_11 : memref<1x632x128xf32, #tpu.memory_space<hbm>> -> memref<632x128xf32, #tpu.memory_space<hbm>>
      %dma_start3A_13 = arith.constant 0 : i32
      %dma_start3A_14 = tpu.memref_slice %arg8[%mul3A_0, %dma_start3A_13] : memref<10112x128xf32, #tpu.memory_space<vmem_shared>> -> memref<632x128xf32, #tpu.memory_space<vmem_shared>>
      tpu.enqueue_dma source(%dma_start3A_14 : memref<632x128xf32, #tpu.memory_space<vmem_shared>>) target(%dma_start3A_12 : memref<632x128xf32, #tpu.memory_space<hbm>>) target_semaphore(%run_scoped3A : memref<!tpu.dma_semaphore, #tpu.memory_space<semaphore_mem>>)
      %dma_wait3A = arith.constant 0 : i32
      %dma_wait3A_15 = tpu.memref_slice %arg5[%arg0, %mul3A_0, %dma_wait3A] : memref<2x10112x128xf32, #tpu.memory_space<hbm>> -> memref<1x632x128xf32, #tpu.memory_space<hbm>>
      %dma_wait3A_16 = tpu.memref_squeeze %dma_wait3A_15 : memref<1x632x128xf32, #tpu.memory_space<hbm>> -> memref<632x128xf32, #tpu.memory_space<hbm>>
      %dma_wait3A_17 = arith.constant 0 : i32
      %dma_wait3A_18 = tpu.memref_slice %arg8[%mul3A_0, %dma_wait3A_17] : memref<10112x128xf32, #tpu.memory_space<vmem_shared>> -> memref<632x128xf32, #tpu.memory_space<vmem_shared>>
      tpu.wait_dma2 semaphore(%run_scoped3A : memref<!tpu.dma_semaphore, #tpu.memory_space<semaphore_mem>>) src(%dma_wait3A_18 : memref<632x128xf32, #tpu.memory_space<vmem_shared>>) dst(%dma_wait3A_16 : memref<632x128xf32, #tpu.memory_space<hbm>>)
      tpu.yield
    }) : () -> ()
    return
  }
}

#map = affine_map<(d0, d1) -> (0, 0, 0)>
#map1 = affine_map<(d0, d1) -> (0)>
#map2 = affine_map<(d0, d1) -> (0, 0)>
module attributes {stable_mosaic.version = 14 : i64} {
  func.func @body(%arg0: i32, %arg1: i32, %arg2: memref<2560x1x128xi32, #tpu.memory_space<hbm>>, %arg3: memref<163840xi32, #tpu.memory_space<hbm>>, %arg4: memref<20000x128xf32, #tpu.memory_space<hbm>>, %arg5: memref<632x128xf32, #tpu.memory_space<hbm>>, %arg6: memref<2x10112x128xf32, #tpu.memory_space<hbm>>, %arg7: memref<80x1x128xi32, #tpu.memory_space<vmem>>, %arg8: memref<128xi32, #tpu.memory_space<vmem>>, %arg9: memref<128xi32, #tpu.memory_space<vmem>>, %arg10: memref<128x128xf32, #tpu.memory_space<vmem>>, %arg11: memref<128x128xf32, #tpu.memory_space<vmem>>, %arg12: memref<10112x128xf32, #tpu.memory_space<vmem_shared>>, %arg13: memref<!tpu.dma_semaphore, #tpu.memory_space<semaphore_mem>>, %arg14: memref<!tpu.dma_semaphore, #tpu.memory_space<semaphore_mem>>, %arg15: memref<!tpu.dma_semaphore, #tpu.memory_space<semaphore_mem>>, %arg16: memref<!tpu.dma_semaphore, #tpu.memory_space<semaphore_mem>>) attributes {dimension_semantics = [#tpu.dimension_semantics<core_parallel>, #tpu.dimension_semantics<subcore_parallel>], iteration_bounds = array<i64: 2, 16>, scalar_prefetch = 0 : i64, scratch_operands = 10 : i64, tpu.core_type = #tpu.core_type<sc_vector_subcore>, window_params = [{transform_indices = #map}, {transform_indices = #map1}, {transform_indices = #map2}, {transform_indices = #map2}, {transform_indices = #map}]} {
    %mul3A = arith.constant 632 : i32
    %mul3A_0 = arith.muli %arg1, %mul3A : i32
    %mul3A_1 = arith.constant 163840 : i32
    %mul3A_2 = arith.muli %arg0, %mul3A_1 : i32
    %jit3A = arith.constant 128 : i32
    %div3A = arith.divsi %mul3A_2, %jit3A : i32
    %sign3A = arith.constant 0 : i32
    %sign3A_3 = arith.cmpi sgt, %mul3A_2, %sign3A : i32
    %sign3A_4 = arith.extui %sign3A_3 : i1 to i32
    %sign3A_5 = arith.constant 0 : i32
    %sign3A_6 = arith.cmpi slt, %mul3A_2, %sign3A_5 : i32
    %sign3A_7 = arith.extui %sign3A_6 : i1 to i32
    %sign3A_8 = arith.subi %sign3A_4, %sign3A_7 : i32
    %sign3A_9 = arith.constant 0 : i32
    %sign3A_10 = arith.cmpi sgt, %jit3A, %sign3A_9 : i32
    %sign3A_11 = arith.extui %sign3A_10 : i1 to i32
    %sign3A_12 = arith.constant 0 : i32
    %sign3A_13 = arith.cmpi slt, %jit3A, %sign3A_12 : i32
    %sign3A_14 = arith.extui %sign3A_13 : i1 to i32
    %sign3A_15 = arith.subi %sign3A_11, %sign3A_14 : i32
    %ne3A = arith.cmpi ne, %sign3A_8, %sign3A_15 : i32
    %rem3A = arith.remsi %mul3A_2, %jit3A : i32
    %ne3A_16 = arith.constant 0 : i32
    %ne3A_17 = arith.cmpi ne, %rem3A, %ne3A_16 : i32
    %and3A = arith.andi %ne3A, %ne3A_17 : i1
    %sub3A = arith.constant 1 : i32
    %sub3A_18 = arith.subi %div3A, %sub3A : i32
    %select_n3A = arith.select %and3A, %sub3A_18, %div3A : i32
    %mul3A_19 = arith.constant 80 : i32
    %mul3A_20 = arith.muli %arg1, %mul3A_19 : i32
    %add3A = arith.addi %select_n3A, %mul3A_20 : i32
    %mul3A_21 = arith.constant 10240 : i32
    %mul3A_22 = arith.muli %arg1, %mul3A_21 : i32
    "tpu.region"() ({
      %run_scoped3A = tpu.sem_alloc : memref<!tpu.dma_semaphore, #tpu.memory_space<semaphore_mem>>
      %dma_start3A_75 = arith.constant 0 : i32
      %dma_start3A_76 = arith.constant 0 : i32
      %dma_start3A_77 = tpu.memref_slice %arg2[%add3A, %dma_start3A_75, %dma_start3A_76] : memref<2560x1x128xi32, #tpu.memory_space<hbm>> -> memref<80x1x128xi32, #tpu.memory_space<hbm>>
      %dma_start3A_78 = arith.constant 0 : i32
      %dma_start3A_79 = arith.constant 0 : i32
      %dma_start3A_80 = tpu.memref_slice %arg2[%add3A, %dma_start3A_78, %dma_start3A_79] : memref<2560x1x128xi32, #tpu.memory_space<hbm>> -> memref<80x1x128xi32, #tpu.memory_space<hbm>>
      tpu.enqueue_dma source(%dma_start3A_80 : memref<80x1x128xi32, #tpu.memory_space<hbm>>) target(%arg7 : memref<80x1x128xi32, #tpu.memory_space<vmem>>) target_semaphore(%run_scoped3A : memref<!tpu.dma_semaphore, #tpu.memory_space<semaphore_mem>>)
      %dma_wait3A_81 = arith.constant 0 : i32
      %dma_wait3A_82 = arith.constant 0 : i32
      %dma_wait3A_83 = tpu.memref_slice %arg2[%add3A, %dma_wait3A_81, %dma_wait3A_82] : memref<2560x1x128xi32, #tpu.memory_space<hbm>> -> memref<80x1x128xi32, #tpu.memory_space<hbm>>
      %dma_wait3A_84 = arith.constant 0 : i32
      %dma_wait3A_85 = arith.constant 0 : i32
      %dma_wait3A_86 = tpu.memref_slice %arg2[%add3A, %dma_wait3A_84, %dma_wait3A_85] : memref<2560x1x128xi32, #tpu.memory_space<hbm>> -> memref<80x1x128xi32, #tpu.memory_space<hbm>>
      tpu.wait_dma2 semaphore(%run_scoped3A : memref<!tpu.dma_semaphore, #tpu.memory_space<semaphore_mem>>) src(%dma_wait3A_86 : memref<80x1x128xi32, #tpu.memory_space<hbm>>) dst(%arg7 : memref<80x1x128xi32, #tpu.memory_space<vmem>>)
      tpu.yield
    }) : () -> ()
    "tpu.region"() ({
      %run_scoped3A = tpu.sem_alloc : memref<!tpu.dma_semaphore, #tpu.memory_space<semaphore_mem>>
      %dma_start3A_75 = arith.constant 0 : i32
      %dma_start3A_76 = tpu.memref_slice %arg12[%mul3A_0, %dma_start3A_75] : memref<10112x128xf32, #tpu.memory_space<vmem_shared>> -> memref<632x128xf32, #tpu.memory_space<vmem_shared>>
      tpu.enqueue_dma source(%arg5 : memref<632x128xf32, #tpu.memory_space<hbm>>) target(%dma_start3A_76 : memref<632x128xf32, #tpu.memory_space<vmem_shared>>) target_semaphore(%run_scoped3A : memref<!tpu.dma_semaphore, #tpu.memory_space<semaphore_mem>>)
      %dma_wait3A_77 = arith.constant 0 : i32
      %dma_wait3A_78 = tpu.memref_slice %arg12[%mul3A_0, %dma_wait3A_77] : memref<10112x128xf32, #tpu.memory_space<vmem_shared>> -> memref<632x128xf32, #tpu.memory_space<vmem_shared>>
      tpu.wait_dma2 semaphore(%run_scoped3A : memref<!tpu.dma_semaphore, #tpu.memory_space<semaphore_mem>>) src(%arg5 : memref<632x128xf32, #tpu.memory_space<hbm>>) dst(%dma_wait3A_78 : memref<632x128xf32, #tpu.memory_space<vmem_shared>>)
      tpu.yield
    }) : () -> ()
    %barrier3A = arith.constant 0 : index
    tpu.barrier barrier_id(%barrier3A)
    %dma_start3A = arith.constant 0 : i32
    %dma_start3A_23 = arith.constant 0 : i32
    %dma_start3A_24 = arith.constant 0 : i32
    %dma_start3A_25 = tpu.memref_slice %arg7[%dma_start3A, %dma_start3A_23, %dma_start3A_24] : memref<80x1x128xi32, #tpu.memory_space<vmem>> -> memref<1x1x128xi32, #tpu.memory_space<vmem>>
    %dma_start3A_26 = tpu.memref_squeeze %dma_start3A_25 : memref<1x1x128xi32, #tpu.memory_space<vmem>> -> memref<128xi32, #tpu.memory_space<vmem>>
    %dma_start3A_27 = arith.constant 0 : i32
    %dma_start3A_28 = arith.constant 0 : i32
    %dma_start3A_29 = tpu.memref_slice %arg4[%dma_start3A_27, %dma_start3A_28] : memref<20000x128xf32, #tpu.memory_space<hbm>> -> memref<20000x128xf32, #tpu.memory_space<hbm>>
    tpu.enqueue_indirect_dma source(%dma_start3A_29 : memref<20000x128xf32, #tpu.memory_space<hbm>>) target(%arg10 : memref<128x128xf32, #tpu.memory_space<vmem>>) offsets(%dma_start3A_26 : memref<128xi32, #tpu.memory_space<vmem>>) semaphore(%arg13 : memref<!tpu.dma_semaphore, #tpu.memory_space<semaphore_mem>>)
    %add3A_30 = arith.constant 0 : i32
    %add3A_31 = arith.addi %mul3A_22, %add3A_30 : i32
    %dma_start3A_32 = tpu.memref_slice %arg3[%add3A_31] : memref<163840xi32, #tpu.memory_space<hbm>> -> memref<128xi32, #tpu.memory_space<hbm>>
    %dma_start3A_33 = tpu.memref_slice %arg3[%add3A_31] : memref<163840xi32, #tpu.memory_space<hbm>> -> memref<128xi32, #tpu.memory_space<hbm>>
    tpu.enqueue_dma source(%dma_start3A_33 : memref<128xi32, #tpu.memory_space<hbm>>) target(%arg8 : memref<128xi32, #tpu.memory_space<vmem>>) target_semaphore(%arg15 : memref<!tpu.dma_semaphore, #tpu.memory_space<semaphore_mem>>)
    %dma_start3A_34 = arith.constant 1 : i32
    %dma_start3A_35 = arith.constant 0 : i32
    %dma_start3A_36 = arith.constant 0 : i32
    %dma_start3A_37 = tpu.memref_slice %arg7[%dma_start3A_34, %dma_start3A_35, %dma_start3A_36] : memref<80x1x128xi32, #tpu.memory_space<vmem>> -> memref<1x1x128xi32, #tpu.memory_space<vmem>>
    %dma_start3A_38 = tpu.memref_squeeze %dma_start3A_37 : memref<1x1x128xi32, #tpu.memory_space<vmem>> -> memref<128xi32, #tpu.memory_space<vmem>>
    %dma_start3A_39 = arith.constant 0 : i32
    %dma_start3A_40 = arith.constant 0 : i32
    %dma_start3A_41 = tpu.memref_slice %arg4[%dma_start3A_39, %dma_start3A_40] : memref<20000x128xf32, #tpu.memory_space<hbm>> -> memref<20000x128xf32, #tpu.memory_space<hbm>>
    tpu.enqueue_indirect_dma source(%dma_start3A_41 : memref<20000x128xf32, #tpu.memory_space<hbm>>) target(%arg11 : memref<128x128xf32, #tpu.memory_space<vmem>>) offsets(%dma_start3A_38 : memref<128xi32, #tpu.memory_space<vmem>>) semaphore(%arg14 : memref<!tpu.dma_semaphore, #tpu.memory_space<semaphore_mem>>)
    %add3A_42 = arith.constant 128 : i32
    %add3A_43 = arith.addi %mul3A_22, %add3A_42 : i32
    %dma_start3A_44 = tpu.memref_slice %arg3[%add3A_43] : memref<163840xi32, #tpu.memory_space<hbm>> -> memref<128xi32, #tpu.memory_space<hbm>>
    %dma_start3A_45 = tpu.memref_slice %arg3[%add3A_43] : memref<163840xi32, #tpu.memory_space<hbm>> -> memref<128xi32, #tpu.memory_space<hbm>>
    tpu.enqueue_dma source(%dma_start3A_45 : memref<128xi32, #tpu.memory_space<hbm>>) target(%arg9 : memref<128xi32, #tpu.memory_space<vmem>>) target_semaphore(%arg16 : memref<!tpu.dma_semaphore, #tpu.memory_space<semaphore_mem>>)
    %scan3A = arith.constant 0 : i32
    %scan3A_46 = arith.constant 0 : i32
    %scan3A_47 = arith.constant 39 : i32
    %scan3A_48 = arith.addi %scan3A_46, %scan3A_47 : i32
    %scan3A_49 = arith.constant 1 : i32
    scf.for %scan3A_75 = %scan3A_46 to %scan3A_48 step %scan3A_49  : i32 {
      %mul3A_76 = arith.constant 2 : i32
      %mul3A_77 = arith.muli %scan3A_75, %mul3A_76 : i32
      %add3A_78 = arith.constant 0 : i32
      %add3A_79 = arith.addi %mul3A_77, %add3A_78 : i32
      %dma_wait3A_80 = arith.constant 0 : i32
      %dma_wait3A_81 = arith.constant 0 : i32
      %dma_wait3A_82 = tpu.memref_slice %arg7[%add3A_79, %dma_wait3A_80, %dma_wait3A_81] : memref<80x1x128xi32, #tpu.memory_space<vmem>> -> memref<1x1x128xi32, #tpu.memory_space<vmem>>
      %dma_wait3A_83 = tpu.memref_squeeze %dma_wait3A_82 : memref<1x1x128xi32, #tpu.memory_space<vmem>> -> memref<128xi32, #tpu.memory_space<vmem>>
      %dma_wait3A_84 = arith.constant 0 : i32
      %dma_wait3A_85 = arith.constant 0 : i32
      %dma_wait3A_86 = tpu.memref_slice %arg4[%dma_wait3A_84, %dma_wait3A_85] : memref<20000x128xf32, #tpu.memory_space<hbm>> -> memref<20000x128xf32, #tpu.memory_space<hbm>>
      tpu.wait_indirect_dma semaphore(%arg13 : memref<!tpu.dma_semaphore, #tpu.memory_space<semaphore_mem>>) src(%dma_wait3A_86 : memref<20000x128xf32, #tpu.memory_space<hbm>>) dst(%arg10 : memref<128x128xf32, #tpu.memory_space<vmem>>)
      %mul3A_87 = arith.constant 128 : i32
      %mul3A_88 = arith.muli %add3A_79, %mul3A_87 : i32
      %add3A_89 = arith.addi %mul3A_22, %mul3A_88 : i32
      %dma_wait3A_90 = tpu.memref_slice %arg3[%add3A_89] : memref<163840xi32, #tpu.memory_space<hbm>> -> memref<128xi32, #tpu.memory_space<hbm>>
      %dma_wait3A_91 = tpu.memref_slice %arg3[%add3A_89] : memref<163840xi32, #tpu.memory_space<hbm>> -> memref<128xi32, #tpu.memory_space<hbm>>
      tpu.wait_dma2 semaphore(%arg15 : memref<!tpu.dma_semaphore, #tpu.memory_space<semaphore_mem>>) src(%dma_wait3A_91 : memref<128xi32, #tpu.memory_space<hbm>>) dst(%arg8 : memref<128xi32, #tpu.memory_space<vmem>>)
      "tpu.region"() ({
        %run_scoped3A = tpu.sem_alloc : memref<!tpu.dma_semaphore, #tpu.memory_space<semaphore_mem>>
        %dma_start3A_138 = arith.constant 0 : i32
        %dma_start3A_139 = arith.constant 0 : i32
        %dma_start3A_140 = tpu.memref_slice %arg12[%dma_start3A_138, %dma_start3A_139] : memref<10112x128xf32, #tpu.memory_space<vmem_shared>> -> memref<10112x128xf32, #tpu.memory_space<vmem_shared>>
        tpu.enqueue_indirect_dma source(%arg10 : memref<128x128xf32, #tpu.memory_space<vmem>>) target(%dma_start3A_140 : memref<10112x128xf32, #tpu.memory_space<vmem_shared>>) offsets(%arg8 : memref<128xi32, #tpu.memory_space<vmem>>) semaphore(%run_scoped3A : memref<!tpu.dma_semaphore, #tpu.memory_space<semaphore_mem>>) {add = true}
        %dma_wait3A_141 = arith.constant 0 : i32
        %dma_wait3A_142 = arith.constant 0 : i32
        %dma_wait3A_143 = tpu.memref_slice %arg12[%dma_wait3A_141, %dma_wait3A_142] : memref<10112x128xf32, #tpu.memory_space<vmem_shared>> -> memref<10112x128xf32, #tpu.memory_space<vmem_shared>>
        tpu.wait_indirect_dma semaphore(%run_scoped3A : memref<!tpu.dma_semaphore, #tpu.memory_space<semaphore_mem>>) src(%arg10 : memref<128x128xf32, #tpu.memory_space<vmem>>) dst(%dma_wait3A_143 : memref<10112x128xf32, #tpu.memory_space<vmem_shared>>)
        tpu.yield
      }) : () -> ()
      %add3A_92 = arith.constant 0 : i32
      %add3A_93 = arith.addi %mul3A_77, %add3A_92 : i32
      %add3A_94 = arith.constant 2 : i32
      %add3A_95 = arith.addi %add3A_93, %add3A_94 : i32
      %dma_start3A_96 = arith.constant 0 : i32
      %dma_start3A_97 = arith.constant 0 : i32
      %dma_start3A_98 = tpu.memref_slice %arg7[%add3A_95, %dma_start3A_96, %dma_start3A_97] : memref<80x1x128xi32, #tpu.memory_space<vmem>> -> memref<1x1x128xi32, #tpu.memory_space<vmem>>
      %dma_start3A_99 = tpu.memref_squeeze %dma_start3A_98 : memref<1x1x128xi32, #tpu.memory_space<vmem>> -> memref<128xi32, #tpu.memory_space<vmem>>
      %dma_start3A_100 = arith.constant 0 : i32
      %dma_start3A_101 = arith.constant 0 : i32
      %dma_start3A_102 = tpu.memref_slice %arg4[%dma_start3A_100, %dma_start3A_101] : memref<20000x128xf32, #tpu.memory_space<hbm>> -> memref<20000x128xf32, #tpu.memory_space<hbm>>
      tpu.enqueue_indirect_dma source(%dma_start3A_102 : memref<20000x128xf32, #tpu.memory_space<hbm>>) target(%arg10 : memref<128x128xf32, #tpu.memory_space<vmem>>) offsets(%dma_start3A_99 : memref<128xi32, #tpu.memory_space<vmem>>) semaphore(%arg13 : memref<!tpu.dma_semaphore, #tpu.memory_space<semaphore_mem>>)
      %mul3A_103 = arith.constant 128 : i32
      %mul3A_104 = arith.muli %add3A_95, %mul3A_103 : i32
      %add3A_105 = arith.addi %mul3A_22, %mul3A_104 : i32
      %dma_start3A_106 = tpu.memref_slice %arg3[%add3A_105] : memref<163840xi32, #tpu.memory_space<hbm>> -> memref<128xi32, #tpu.memory_space<hbm>>
      %dma_start3A_107 = tpu.memref_slice %arg3[%add3A_105] : memref<163840xi32, #tpu.memory_space<hbm>> -> memref<128xi32, #tpu.memory_space<hbm>>
      tpu.enqueue_dma source(%dma_start3A_107 : memref<128xi32, #tpu.memory_space<hbm>>) target(%arg8 : memref<128xi32, #tpu.memory_space<vmem>>) target_semaphore(%arg15 : memref<!tpu.dma_semaphore, #tpu.memory_space<semaphore_mem>>)
      %add3A_108 = arith.constant 1 : i32
      %add3A_109 = arith.addi %mul3A_77, %add3A_108 : i32
      %dma_wait3A_110 = arith.constant 0 : i32
      %dma_wait3A_111 = arith.constant 0 : i32
      %dma_wait3A_112 = tpu.memref_slice %arg7[%add3A_109, %dma_wait3A_110, %dma_wait3A_111] : memref<80x1x128xi32, #tpu.memory_space<vmem>> -> memref<1x1x128xi32, #tpu.memory_space<vmem>>
      %dma_wait3A_113 = tpu.memref_squeeze %dma_wait3A_112 : memref<1x1x128xi32, #tpu.memory_space<vmem>> -> memref<128xi32, #tpu.memory_space<vmem>>
      %dma_wait3A_114 = arith.constant 0 : i32
      %dma_wait3A_115 = arith.constant 0 : i32
      %dma_wait3A_116 = tpu.memref_slice %arg4[%dma_wait3A_114, %dma_wait3A_115] : memref<20000x128xf32, #tpu.memory_space<hbm>> -> memref<20000x128xf32, #tpu.memory_space<hbm>>
      tpu.wait_indirect_dma semaphore(%arg14 : memref<!tpu.dma_semaphore, #tpu.memory_space<semaphore_mem>>) src(%dma_wait3A_116 : memref<20000x128xf32, #tpu.memory_space<hbm>>) dst(%arg11 : memref<128x128xf32, #tpu.memory_space<vmem>>)
      %mul3A_117 = arith.constant 128 : i32
      %mul3A_118 = arith.muli %add3A_109, %mul3A_117 : i32
      %add3A_119 = arith.addi %mul3A_22, %mul3A_118 : i32
      %dma_wait3A_120 = tpu.memref_slice %arg3[%add3A_119] : memref<163840xi32, #tpu.memory_space<hbm>> -> memref<128xi32, #tpu.memory_space<hbm>>
      %dma_wait3A_121 = tpu.memref_slice %arg3[%add3A_119] : memref<163840xi32, #tpu.memory_space<hbm>> -> memref<128xi32, #tpu.memory_space<hbm>>
      tpu.wait_dma2 semaphore(%arg16 : memref<!tpu.dma_semaphore, #tpu.memory_space<semaphore_mem>>) src(%dma_wait3A_121 : memref<128xi32, #tpu.memory_space<hbm>>) dst(%arg9 : memref<128xi32, #tpu.memory_space<vmem>>)
      "tpu.region"() ({
        %run_scoped3A = tpu.sem_alloc : memref<!tpu.dma_semaphore, #tpu.memory_space<semaphore_mem>>
        %dma_start3A_138 = arith.constant 0 : i32
        %dma_start3A_139 = arith.constant 0 : i32
        %dma_start3A_140 = tpu.memref_slice %arg12[%dma_start3A_138, %dma_start3A_139] : memref<10112x128xf32, #tpu.memory_space<vmem_shared>> -> memref<10112x128xf32, #tpu.memory_space<vmem_shared>>
        tpu.enqueue_indirect_dma source(%arg11 : memref<128x128xf32, #tpu.memory_space<vmem>>) target(%dma_start3A_140 : memref<10112x128xf32, #tpu.memory_space<vmem_shared>>) offsets(%arg9 : memref<128xi32, #tpu.memory_space<vmem>>) semaphore(%run_scoped3A : memref<!tpu.dma_semaphore, #tpu.memory_space<semaphore_mem>>) {add = true}
        %dma_wait3A_141 = arith.constant 0 : i32
        %dma_wait3A_142 = arith.constant 0 : i32
        %dma_wait3A_143 = tpu.memref_slice %arg12[%dma_wait3A_141, %dma_wait3A_142] : memref<10112x128xf32, #tpu.memory_space<vmem_shared>> -> memref<10112x128xf32, #tpu.memory_space<vmem_shared>>
        tpu.wait_indirect_dma semaphore(%run_scoped3A : memref<!tpu.dma_semaphore, #tpu.memory_space<semaphore_mem>>) src(%arg11 : memref<128x128xf32, #tpu.memory_space<vmem>>) dst(%dma_wait3A_143 : memref<10112x128xf32, #tpu.memory_space<vmem_shared>>)
        tpu.yield
      }) : () -> ()
      %add3A_122 = arith.constant 1 : i32
      %add3A_123 = arith.addi %mul3A_77, %add3A_122 : i32
      %add3A_124 = arith.constant 2 : i32
      %add3A_125 = arith.addi %add3A_123, %add3A_124 : i32
      %dma_start3A_126 = arith.constant 0 : i32
      %dma_start3A_127 = arith.constant 0 : i32
      %dma_start3A_128 = tpu.memref_slice %arg7[%add3A_125, %dma_start3A_126, %dma_start3A_127] : memref<80x1x128xi32, #tpu.memory_space<vmem>> -> memref<1x1x128xi32, #tpu.memory_space<vmem>>
      %dma_start3A_129 = tpu.memref_squeeze %dma_start3A_128 : memref<1x1x128xi32, #tpu.memory_space<vmem>> -> memref<128xi32, #tpu.memory_space<vmem>>
      %dma_start3A_130 = arith.constant 0 : i32
      %dma_start3A_131 = arith.constant 0 : i32
      %dma_start3A_132 = tpu.memref_slice %arg4[%dma_start3A_130, %dma_start3A_131] : memref<20000x128xf32, #tpu.memory_space<hbm>> -> memref<20000x128xf32, #tpu.memory_space<hbm>>
      tpu.enqueue_indirect_dma source(%dma_start3A_132 : memref<20000x128xf32, #tpu.memory_space<hbm>>) target(%arg11 : memref<128x128xf32, #tpu.memory_space<vmem>>) offsets(%dma_start3A_129 : memref<128xi32, #tpu.memory_space<vmem>>) semaphore(%arg14 : memref<!tpu.dma_semaphore, #tpu.memory_space<semaphore_mem>>)
      %mul3A_133 = arith.constant 128 : i32
      %mul3A_134 = arith.muli %add3A_125, %mul3A_133 : i32
      %add3A_135 = arith.addi %mul3A_22, %mul3A_134 : i32
      %dma_start3A_136 = tpu.memref_slice %arg3[%add3A_135] : memref<163840xi32, #tpu.memory_space<hbm>> -> memref<128xi32, #tpu.memory_space<hbm>>
      %dma_start3A_137 = tpu.memref_slice %arg3[%add3A_135] : memref<163840xi32, #tpu.memory_space<hbm>> -> memref<128xi32, #tpu.memory_space<hbm>>
      tpu.enqueue_dma source(%dma_start3A_137 : memref<128xi32, #tpu.memory_space<hbm>>) target(%arg9 : memref<128xi32, #tpu.memory_space<vmem>>) target_semaphore(%arg16 : memref<!tpu.dma_semaphore, #tpu.memory_space<semaphore_mem>>)
    }
    %scan3A_50 = arith.constant 39 : i32
    %dma_wait3A = arith.constant 78 : i32
    %dma_wait3A_51 = arith.constant 0 : i32
    %dma_wait3A_52 = arith.constant 0 : i32
    %dma_wait3A_53 = tpu.memref_slice %arg7[%dma_wait3A, %dma_wait3A_51, %dma_wait3A_52] : memref<80x1x128xi32, #tpu.memory_space<vmem>> -> memref<1x1x128xi32, #tpu.memory_space<vmem>>
    %dma_wait3A_54 = tpu.memref_squeeze %dma_wait3A_53 : memref<1x1x128xi32, #tpu.memory_space<vmem>> -> memref<128xi32, #tpu.memory_space<vmem>>
    %dma_wait3A_55 = arith.constant 0 : i32
    %dma_wait3A_56 = arith.constant 0 : i32
    %dma_wait3A_57 = tpu.memref_slice %arg4[%dma_wait3A_55, %dma_wait3A_56] : memref<20000x128xf32, #tpu.memory_space<hbm>> -> memref<20000x128xf32, #tpu.memory_space<hbm>>
    tpu.wait_indirect_dma semaphore(%arg13 : memref<!tpu.dma_semaphore, #tpu.memory_space<semaphore_mem>>) src(%dma_wait3A_57 : memref<20000x128xf32, #tpu.memory_space<hbm>>) dst(%arg10 : memref<128x128xf32, #tpu.memory_space<vmem>>)
    %add3A_58 = arith.constant 9984 : i32
    %add3A_59 = arith.addi %mul3A_22, %add3A_58 : i32
    %dma_wait3A_60 = tpu.memref_slice %arg3[%add3A_59] : memref<163840xi32, #tpu.memory_space<hbm>> -> memref<128xi32, #tpu.memory_space<hbm>>
    %dma_wait3A_61 = tpu.memref_slice %arg3[%add3A_59] : memref<163840xi32, #tpu.memory_space<hbm>> -> memref<128xi32, #tpu.memory_space<hbm>>
    tpu.wait_dma2 semaphore(%arg15 : memref<!tpu.dma_semaphore, #tpu.memory_space<semaphore_mem>>) src(%dma_wait3A_61 : memref<128xi32, #tpu.memory_space<hbm>>) dst(%arg8 : memref<128xi32, #tpu.memory_space<vmem>>)
    "tpu.region"() ({
      %run_scoped3A = tpu.sem_alloc : memref<!tpu.dma_semaphore, #tpu.memory_space<semaphore_mem>>
      %dma_start3A_75 = arith.constant 0 : i32
      %dma_start3A_76 = arith.constant 0 : i32
      %dma_start3A_77 = tpu.memref_slice %arg12[%dma_start3A_75, %dma_start3A_76] : memref<10112x128xf32, #tpu.memory_space<vmem_shared>> -> memref<10112x128xf32, #tpu.memory_space<vmem_shared>>
      tpu.enqueue_indirect_dma source(%arg10 : memref<128x128xf32, #tpu.memory_space<vmem>>) target(%dma_start3A_77 : memref<10112x128xf32, #tpu.memory_space<vmem_shared>>) offsets(%arg8 : memref<128xi32, #tpu.memory_space<vmem>>) semaphore(%run_scoped3A : memref<!tpu.dma_semaphore, #tpu.memory_space<semaphore_mem>>) {add = true}
      %dma_wait3A_78 = arith.constant 0 : i32
      %dma_wait3A_79 = arith.constant 0 : i32
      %dma_wait3A_80 = tpu.memref_slice %arg12[%dma_wait3A_78, %dma_wait3A_79] : memref<10112x128xf32, #tpu.memory_space<vmem_shared>> -> memref<10112x128xf32, #tpu.memory_space<vmem_shared>>
      tpu.wait_indirect_dma semaphore(%run_scoped3A : memref<!tpu.dma_semaphore, #tpu.memory_space<semaphore_mem>>) src(%arg10 : memref<128x128xf32, #tpu.memory_space<vmem>>) dst(%dma_wait3A_80 : memref<10112x128xf32, #tpu.memory_space<vmem_shared>>)
      tpu.yield
    }) : () -> ()
    %dma_wait3A_62 = arith.constant 79 : i32
    %dma_wait3A_63 = arith.constant 0 : i32
    %dma_wait3A_64 = arith.constant 0 : i32
    %dma_wait3A_65 = tpu.memref_slice %arg7[%dma_wait3A_62, %dma_wait3A_63, %dma_wait3A_64] : memref<80x1x128xi32, #tpu.memory_space<vmem>> -> memref<1x1x128xi32, #tpu.memory_space<vmem>>
    %dma_wait3A_66 = tpu.memref_squeeze %dma_wait3A_65 : memref<1x1x128xi32, #tpu.memory_space<vmem>> -> memref<128xi32, #tpu.memory_space<vmem>>
    %dma_wait3A_67 = arith.constant 0 : i32
    %dma_wait3A_68 = arith.constant 0 : i32
    %dma_wait3A_69 = tpu.memref_slice %arg4[%dma_wait3A_67, %dma_wait3A_68] : memref<20000x128xf32, #tpu.memory_space<hbm>> -> memref<20000x128xf32, #tpu.memory_space<hbm>>
    tpu.wait_indirect_dma semaphore(%arg14 : memref<!tpu.dma_semaphore, #tpu.memory_space<semaphore_mem>>) src(%dma_wait3A_69 : memref<20000x128xf32, #tpu.memory_space<hbm>>) dst(%arg11 : memref<128x128xf32, #tpu.memory_space<vmem>>)
    %add3A_70 = arith.constant 10112 : i32
    %add3A_71 = arith.addi %mul3A_22, %add3A_70 : i32
    %dma_wait3A_72 = tpu.memref_slice %arg3[%add3A_71] : memref<163840xi32, #tpu.memory_space<hbm>> -> memref<128xi32, #tpu.memory_space<hbm>>
    %dma_wait3A_73 = tpu.memref_slice %arg3[%add3A_71] : memref<163840xi32, #tpu.memory_space<hbm>> -> memref<128xi32, #tpu.memory_space<hbm>>
    tpu.wait_dma2 semaphore(%arg16 : memref<!tpu.dma_semaphore, #tpu.memory_space<semaphore_mem>>) src(%dma_wait3A_73 : memref<128xi32, #tpu.memory_space<hbm>>) dst(%arg9 : memref<128xi32, #tpu.memory_space<vmem>>)
    "tpu.region"() ({
      %run_scoped3A = tpu.sem_alloc : memref<!tpu.dma_semaphore, #tpu.memory_space<semaphore_mem>>
      %dma_start3A_75 = arith.constant 0 : i32
      %dma_start3A_76 = arith.constant 0 : i32
      %dma_start3A_77 = tpu.memref_slice %arg12[%dma_start3A_75, %dma_start3A_76] : memref<10112x128xf32, #tpu.memory_space<vmem_shared>> -> memref<10112x128xf32, #tpu.memory_space<vmem_shared>>
      tpu.enqueue_indirect_dma source(%arg11 : memref<128x128xf32, #tpu.memory_space<vmem>>) target(%dma_start3A_77 : memref<10112x128xf32, #tpu.memory_space<vmem_shared>>) offsets(%arg9 : memref<128xi32, #tpu.memory_space<vmem>>) semaphore(%run_scoped3A : memref<!tpu.dma_semaphore, #tpu.memory_space<semaphore_mem>>) {add = true}
      %dma_wait3A_78 = arith.constant 0 : i32
      %dma_wait3A_79 = arith.constant 0 : i32
      %dma_wait3A_80 = tpu.memref_slice %arg12[%dma_wait3A_78, %dma_wait3A_79] : memref<10112x128xf32, #tpu.memory_space<vmem_shared>> -> memref<10112x128xf32, #tpu.memory_space<vmem_shared>>
      tpu.wait_indirect_dma semaphore(%run_scoped3A : memref<!tpu.dma_semaphore, #tpu.memory_space<semaphore_mem>>) src(%arg11 : memref<128x128xf32, #tpu.memory_space<vmem>>) dst(%dma_wait3A_80 : memref<10112x128xf32, #tpu.memory_space<vmem_shared>>)
      tpu.yield
    }) : () -> ()
    %barrier3A_74 = arith.constant 0 : index
    tpu.barrier barrier_id(%barrier3A_74)
    "tpu.region"() ({
      %run_scoped3A = tpu.sem_alloc : memref<!tpu.dma_semaphore, #tpu.memory_space<semaphore_mem>>
      %dma_start3A_75 = arith.constant 0 : i32
      %dma_start3A_76 = tpu.memref_slice %arg6[%arg0, %mul3A_0, %dma_start3A_75] : memref<2x10112x128xf32, #tpu.memory_space<hbm>> -> memref<1x632x128xf32, #tpu.memory_space<hbm>>
      %dma_start3A_77 = tpu.memref_squeeze %dma_start3A_76 : memref<1x632x128xf32, #tpu.memory_space<hbm>> -> memref<632x128xf32, #tpu.memory_space<hbm>>
      %dma_start3A_78 = arith.constant 0 : i32
      %dma_start3A_79 = tpu.memref_slice %arg12[%mul3A_0, %dma_start3A_78] : memref<10112x128xf32, #tpu.memory_space<vmem_shared>> -> memref<632x128xf32, #tpu.memory_space<vmem_shared>>
      tpu.enqueue_dma source(%dma_start3A_79 : memref<632x128xf32, #tpu.memory_space<vmem_shared>>) target(%dma_start3A_77 : memref<632x128xf32, #tpu.memory_space<hbm>>) target_semaphore(%run_scoped3A : memref<!tpu.dma_semaphore, #tpu.memory_space<semaphore_mem>>)
      %dma_wait3A_80 = arith.constant 0 : i32
      %dma_wait3A_81 = tpu.memref_slice %arg6[%arg0, %mul3A_0, %dma_wait3A_80] : memref<2x10112x128xf32, #tpu.memory_space<hbm>> -> memref<1x632x128xf32, #tpu.memory_space<hbm>>
      %dma_wait3A_82 = tpu.memref_squeeze %dma_wait3A_81 : memref<1x632x128xf32, #tpu.memory_space<hbm>> -> memref<632x128xf32, #tpu.memory_space<hbm>>
      %dma_wait3A_83 = arith.constant 0 : i32
      %dma_wait3A_84 = tpu.memref_slice %arg12[%mul3A_0, %dma_wait3A_83] : memref<10112x128xf32, #tpu.memory_space<vmem_shared>> -> memref<632x128xf32, #tpu.memory_space<vmem_shared>>
      tpu.wait_dma2 semaphore(%run_scoped3A : memref<!tpu.dma_semaphore, #tpu.memory_space<semaphore_mem>>) src(%dma_wait3A_84 : memref<632x128xf32, #tpu.memory_space<vmem_shared>>) dst(%dma_wait3A_82 : memref<632x128xf32, #tpu.memory_space<hbm>>)
      tpu.yield
    }) : () -> ()
    return
  }
}

module attributes {stable_mosaic.version = 14 : i64} {
  func.func @bodyf(%arg0: i32, %arg1: i32, %arg2: memref<1000x256xf32, #tpu.memory_space<vmem>>, %arg3: memref<256x128xf32, #tpu.memory_space<vmem>>, %arg4: memref<1000x128xf32, #tpu.memory_space<vmem>>) attributes {dimension_semantics = [#tpu.dimension_semantics<arbitrary>, #tpu.dimension_semantics<arbitrary>], iteration_bounds = array<i64: 2, 10>, scalar_prefetch = 0 : i64, scratch_operands = 0 : i64, tpu.core_type = #tpu.core_type<tc>, window_params = [{transform_indices = @transform_0, window_bounds = array<i64: 1000, 256>}, {transform_indices = @transform_1, window_bounds = array<i64: 256, 128>}, {transform_indices = @transform_2, window_bounds = array<i64: 1000, 128>}]} {
    %get3A = arith.constant 0 : index
    %get3A_0 = arith.constant 0 : index
    %get3A_1 = vector.load %arg2[%get3A, %get3A_0] : memref<1000x256xf32, #tpu.memory_space<vmem>>, vector<1000x256xf32>
    %get3A_2 = arith.constant 0 : index
    %get3A_3 = arith.constant 0 : index
    %get3A_4 = vector.load %arg3[%get3A_2, %get3A_3] : memref<256x128xf32, #tpu.memory_space<vmem>>, vector<256x128xf32>
    %dot_general3A = arith.constant dense<0.000000e+00> : vector<1000x128xf32>
    %dot_general3A_5 = tpu.matmul %get3A_1, %get3A_4, %dot_general3A {dimension_numbers = #tpu.dot_dimension_numbers<[1], [0], [0], [1], [0, 0, 1, 1], [], []>, transpose_lhs_hint = false} : vector<1000x256xf32>, vector<256x128xf32>, vector<1000x128xf32> -> vector<1000x128xf32>
    %swap3A = arith.constant 0 : index
    %swap3A_6 = arith.constant 0 : index
    %swap3A_7 = vector.load %arg4[%swap3A, %swap3A_6] : memref<1000x128xf32, #tpu.memory_space<vmem>>, vector<1000x128xf32>
    tpu.vector_store %arg4[%swap3A, %swap3A_6], %dot_general3A_5 {strides = array<i32>} : memref<1000x128xf32, #tpu.memory_space<vmem>>, vector<1000x128xf32>,
    return
  }
  func.func @transform_0(%arg0: i32, %arg1: i32) -> (i32, i32) {
    %c0_i32 = arith.constant 0 : i32
    %c0_i32_0 = arith.constant 0 : i32
    return %arg1, %c0_i32 : i32, i32
  }
  func.func @transform_1(%arg0: i32, %arg1: i32) -> (i32, i32) {
    %c0_i32 = arith.constant 0 : i32
    %c0_i32_0 = arith.constant 0 : i32
    return %c0_i32, %arg0 : i32, i32
  }
  func.func @transform_2(%arg0: i32, %arg1: i32) -> (i32, i32) {
    %mul3A = arith.constant 10 : i32
    %mul3A_0 = arith.muli %arg0, %mul3A : i32
    %add3A = arith.addi %mul3A_0, %arg1 : i32
    %c0_i32 = arith.constant 0 : i32
    %c0_i32_1 = arith.constant 0 : i32
    return %add3A, %c0_i32 : i32, i32
  }
}

module attributes {stable_mosaic.version = 14 : i64} {
  func.func @bodyf(%arg0: i32, %arg1: memref<1000x256xf32, #tpu.memory_space<vmem>>, %arg2: memref<256x256xf32, #tpu.memory_space<vmem>>, %arg3: memref<1000x256xf32, #tpu.memory_space<vmem>>) attributes {dimension_semantics = [#tpu.dimension_semantics<arbitrary>], iteration_bounds = array<i64: 10>, scalar_prefetch = 0 : i64, scratch_operands = 0 : i64, tpu.core_type = #tpu.core_type<tc>, window_params = [{transform_indices = @transform_0, window_bounds = array<i64: 1000, 256>}, {pipeline_mode = #tpu.pipeline_mode<synchronous>, transform_indices = @transform_1, window_bounds = array<i64: 256, 256>}, {transform_indices = @transform_2, window_bounds = array<i64: 1000, 256>}]} {
    %get3A = arith.constant 0 : index
    %get3A_0 = arith.constant 0 : index
    %get3A_1 = vector.load %arg1[%get3A, %get3A_0] : memref<1000x256xf32, #tpu.memory_space<vmem>>, vector<1000x256xf32>
    %get3A_2 = arith.constant 0 : index
    %get3A_3 = arith.constant 0 : index
    %get3A_4 = vector.load %arg2[%get3A_2, %get3A_3] : memref<256x256xf32, #tpu.memory_space<vmem>>, vector<256x256xf32>
    %dot_general3A = arith.constant dense<0.000000e+00> : vector<1000x256xf32>
    %dot_general3A_5 = tpu.matmul %get3A_1, %get3A_4, %dot_general3A {dimension_numbers = #tpu.dot_dimension_numbers<[1], [0], [0], [1], [0, 0, 1, 1], [], []>, transpose_lhs_hint = false} : vector<1000x256xf32>, vector<256x256xf32>, vector<1000x256xf32> -> vector<1000x256xf32>
    %swap3A = arith.constant 0 : index
    %swap3A_6 = arith.constant 0 : index
    %swap3A_7 = vector.load %arg3[%swap3A, %swap3A_6] : memref<1000x256xf32, #tpu.memory_space<vmem>>, vector<1000x256xf32>
    tpu.vector_store %arg3[%swap3A, %swap3A_6], %dot_general3A_5 {strides = array<i32>} : memref<1000x256xf32, #tpu.memory_space<vmem>>, vector<1000x256xf32>,
    return
  }
  func.func @transform_0(%arg0: i32) -> (i32, i32) {
    %c0_i32 = arith.constant 0 : i32
    %c0_i32_0 = arith.constant 0 : i32
    return %arg0, %c0_i32 : i32, i32
  }
  func.func @transform_1(%arg0: i32) -> (i32, i32) {
    %c0_i32 = arith.constant 0 : i32
    %c0_i32_0 = arith.constant 0 : i32
    %c0_i32_1 = arith.constant 0 : i32
    return %c0_i32, %c0_i32_0 : i32, i32
  }
  func.func @transform_2(%arg0: i32) -> (i32, i32) {
    %c0_i32 = arith.constant 0 : i32
    %c0_i32_0 = arith.constant 0 : i32
    return %arg0, %c0_i32 : i32, i32
  }
}

module attributes {stable_mosaic.version = 14 : i64} {
  func.func @bodyf(%arg0: i32, %arg1: memref<1000x128xf32, #tpu.memory_space<vmem>>, %arg2: memref<1000x128xf32, #tpu.memory_space<vmem>>, %arg3: memref<1000x128xf32, #tpu.memory_space<vmem>>, %arg4: memref<1000x128xf32, #tpu.memory_space<vmem>>, %arg5: memref<1000x256xf32, #tpu.memory_space<vmem>>, %arg6: memref<1x256xf32, #tpu.memory_space<vmem>>, %arg7: memref<1000x256xf32, #tpu.memory_space<vmem>>) attributes {dimension_semantics = [#tpu.dimension_semantics<arbitrary>], iteration_bounds = array<i64: 10>, scalar_prefetch = 0 : i64, scratch_operands = 0 : i64, tpu.core_type = #tpu.core_type<tc>, window_params = [{transform_indices = @transform_0, window_bounds = array<i64: 1000, 128>}, {transform_indices = @transform_1, window_bounds = array<i64: 1000, 128>}, {transform_indices = @transform_2, window_bounds = array<i64: 1000, 128>}, {transform_indices = @transform_3, window_bounds = array<i64: 1000, 128>}, {transform_indices = @transform_4, window_bounds = array<i64: 1000, 256>}, {pipeline_mode = #tpu.pipeline_mode<synchronous>, transform_indices = @transform_5, window_bounds = array<i64: 1, 256>}, {transform_indices = @transform_6, window_bounds = array<i64: 1000, 256>}]} {
    %get3A = arith.constant 0 : index
    %get3A_0 = arith.constant 0 : index
    %get3A_1 = vector.load %arg3[%get3A, %get3A_0] : memref<1000x128xf32, #tpu.memory_space<vmem>>, vector<1000x1xf32>
    %get3A_2 = arith.constant 0 : index
    %get3A_3 = arith.constant 0 : index
    %get3A_4 = vector.load %arg4[%get3A_2, %get3A_3] : memref<1000x128xf32, #tpu.memory_space<vmem>>, vector<1000x1xf32>
    %add3A = arith.addf %get3A_1, %get3A_4 : vector<1000x1xf32>
    %max3A = arith.constant 1.000000e+00 : f32
    %max3A_5 = vector.broadcast %max3A : f32 to vector<1000x1xf32>
    %max3A_6 = arith.maximumf %add3A, %max3A_5 : vector<1000x1xf32>
    %get3A_7 = arith.constant 0 : index
    %get3A_8 = arith.constant 0 : index
    %get3A_9 = vector.load %arg1[%get3A_7, %get3A_8] : memref<1000x128xf32, #tpu.memory_space<vmem>>, vector<1000x128xf32>
    %get3A_10 = arith.constant 0 : index
    %get3A_11 = arith.constant 0 : index
    %get3A_12 = vector.load %arg2[%get3A_10, %get3A_11] : memref<1000x128xf32, #tpu.memory_space<vmem>>, vector<1000x128xf32>
    %concatenate3A = tpu.concatenate %get3A_9, %get3A_12 in 1 : vector<1000x128xf32>, vector<1000x128xf32> -> vector<1000x256xf32>
    %div3A = vector.broadcast %max3A_6 : vector<1000x1xf32> to vector<1000x256xf32>
    %div3A_13 = arith.divf %concatenate3A, %div3A : vector<1000x256xf32>
    %get3A_14 = arith.constant 0 : index
    %get3A_15 = arith.constant 0 : index
    %get3A_16 = vector.load %arg5[%get3A_14, %get3A_15] : memref<1000x256xf32, #tpu.memory_space<vmem>>, vector<1000x256xf32>
    %add3A_17 = arith.addf %div3A_13, %get3A_16 : vector<1000x256xf32>
    %get3A_18 = arith.constant 0 : index
    %get3A_19 = arith.constant 0 : index
    %get3A_20 = vector.load %arg6[%get3A_18, %get3A_19] : memref<1x256xf32, #tpu.memory_space<vmem>>, vector<1x256xf32>
    %add3A_21 = vector.broadcast %get3A_20 : vector<1x256xf32> to vector<1000x256xf32>
    %add3A_22 = arith.addf %add3A_17, %add3A_21 : vector<1000x256xf32>
    %max3A_23 = arith.constant 0.000000e+00 : f32
    %max3A_24 = vector.broadcast %max3A_23 : f32 to vector<1000x256xf32>
    %max3A_25 = arith.maximumf %add3A_22, %max3A_24 : vector<1000x256xf32>
    %swap3A = arith.constant 0 : index
    %swap3A_26 = arith.constant 0 : index
    %swap3A_27 = vector.load %arg7[%swap3A, %swap3A_26] : memref<1000x256xf32, #tpu.memory_space<vmem>>, vector<1000x256xf32>
    tpu.vector_store %arg7[%swap3A, %swap3A_26], %max3A_25 {strides = array<i32>} : memref<1000x256xf32, #tpu.memory_space<vmem>>, vector<1000x256xf32>,
    return
  }
  func.func @transform_0(%arg0: i32) -> (i32, i32) {
    %c0_i32 = arith.constant 0 : i32
    %c0_i32_0 = arith.constant 0 : i32
    return %arg0, %c0_i32 : i32, i32
  }
  func.func @transform_1(%arg0: i32) -> (i32, i32) {
    %c0_i32 = arith.constant 0 : i32
    %c0_i32_0 = arith.constant 0 : i32
    return %arg0, %c0_i32 : i32, i32
  }
  func.func @transform_2(%arg0: i32) -> (i32, i32) {
    %c0_i32 = arith.constant 0 : i32
    %c0_i32_0 = arith.constant 0 : i32
    return %arg0, %c0_i32 : i32, i32
  }
  func.func @transform_3(%arg0: i32) -> (i32, i32) {
    %c0_i32 = arith.constant 0 : i32
    %c0_i32_0 = arith.constant 0 : i32
    return %arg0, %c0_i32 : i32, i32
  }
  func.func @transform_4(%arg0: i32) -> (i32, i32) {
    %c0_i32 = arith.constant 0 : i32
    %c0_i32_0 = arith.constant 0 : i32
    return %arg0, %c0_i32 : i32, i32
  }
  func.func @transform_5(%arg0: i32) -> (i32, i32) {
    %c0_i32 = arith.constant 0 : i32
    %c0_i32_0 = arith.constant 0 : i32
    %c0_i32_1 = arith.constant 0 : i32
    return %c0_i32, %c0_i32_0 : i32, i32
  }
  func.func @transform_6(%arg0: i32) -> (i32, i32) {
    %c0_i32 = arith.constant 0 : i32
    %c0_i32_0 = arith.constant 0 : i32
    return %arg0, %c0_i32 : i32, i32
  }
}

module attributes {stable_mosaic.version = 14 : i64} {
  func.func @bodyf(%arg0: i32, %arg1: memref<1000x256xf32, #tpu.memory_space<vmem>>, %arg2: memref<256x128xf32, #tpu.memory_space<vmem>>, %arg3: memref<1000x128xf32, #tpu.memory_space<vmem>>) attributes {dimension_semantics = [#tpu.dimension_semantics<arbitrary>], iteration_bounds = array<i64: 10>, scalar_prefetch = 0 : i64, scratch_operands = 0 : i64, tpu.core_type = #tpu.core_type<tc>, window_params = [{transform_indices = @transform_0, window_bounds = array<i64: 1000, 256>}, {pipeline_mode = #tpu.pipeline_mode<synchronous>, transform_indices = @transform_1, window_bounds = array<i64: 256, 128>}, {transform_indices = @transform_2, window_bounds = array<i64: 1000, 128>}]} {
    %get3A = arith.constant 0 : index
    %get3A_0 = arith.constant 0 : index
    %get3A_1 = vector.load %arg1[%get3A, %get3A_0] : memref<1000x256xf32, #tpu.memory_space<vmem>>, vector<1000x256xf32>
    %get3A_2 = arith.constant 0 : index
    %get3A_3 = arith.constant 0 : index
    %get3A_4 = vector.load %arg2[%get3A_2, %get3A_3] : memref<256x128xf32, #tpu.memory_space<vmem>>, vector<256x128xf32>
    %dot_general3A = arith.constant dense<0.000000e+00> : vector<1000x128xf32>
    %dot_general3A_5 = tpu.matmul %get3A_1, %get3A_4, %dot_general3A {dimension_numbers = #tpu.dot_dimension_numbers<[1], [0], [0], [1], [0, 0, 1, 1], [], []>, transpose_lhs_hint = false} : vector<1000x256xf32>, vector<256x128xf32>, vector<1000x128xf32> -> vector<1000x128xf32>
    %swap3A = arith.constant 0 : index
    %swap3A_6 = arith.constant 0 : index
    %swap3A_7 = vector.load %arg3[%swap3A, %swap3A_6] : memref<1000x128xf32, #tpu.memory_space<vmem>>, vector<1000x128xf32>
    tpu.vector_store %arg3[%swap3A, %swap3A_6], %dot_general3A_5 {strides = array<i32>} : memref<1000x128xf32, #tpu.memory_space<vmem>>, vector<1000x128xf32>,
    return
  }
  func.func @transform_0(%arg0: i32) -> (i32, i32) {
    %c0_i32 = arith.constant 0 : i32
    %c0_i32_0 = arith.constant 0 : i32
    return %arg0, %c0_i32 : i32, i32
  }
  func.func @transform_1(%arg0: i32) -> (i32, i32) {
    %c0_i32 = arith.constant 0 : i32
    %c0_i32_0 = arith.constant 0 : i32
    %c0_i32_1 = arith.constant 0 : i32
    return %c0_i32, %c0_i32_0 : i32, i32
  }
  func.func @transform_2(%arg0: i32) -> (i32, i32) {
    %c0_i32 = arith.constant 0 : i32
    %c0_i32_0 = arith.constant 0 : i32
    return %arg0, %c0_i32 : i32, i32
  }
}

module attributes {stable_mosaic.version = 14 : i64} {
  func.func @bodyf(%arg0: i32, %arg1: memref<1000x128xf32, #tpu.memory_space<vmem>>, %arg2: memref<1000x128xf32, #tpu.memory_space<vmem>>, %arg3: memref<1000x128xf32, #tpu.memory_space<vmem>>, %arg4: memref<1000x128xf32, #tpu.memory_space<vmem>>, %arg5: memref<1000x128xf32, #tpu.memory_space<vmem>>, %arg6: memref<1x128xf32, #tpu.memory_space<vmem>>, %arg7: memref<1000x128xf32, #tpu.memory_space<vmem>>) attributes {dimension_semantics = [#tpu.dimension_semantics<arbitrary>], iteration_bounds = array<i64: 10>, scalar_prefetch = 0 : i64, scratch_operands = 0 : i64, tpu.core_type = #tpu.core_type<tc>, window_params = [{transform_indices = @transform_0, window_bounds = array<i64: 1000, 128>}, {transform_indices = @transform_1, window_bounds = array<i64: 1000, 128>}, {transform_indices = @transform_2, window_bounds = array<i64: 1000, 128>}, {transform_indices = @transform_3, window_bounds = array<i64: 1000, 128>}, {transform_indices = @transform_4, window_bounds = array<i64: 1000, 128>}, {pipeline_mode = #tpu.pipeline_mode<synchronous>, transform_indices = @transform_5, window_bounds = array<i64: 1, 128>}, {transform_indices = @transform_6, window_bounds = array<i64: 1000, 128>}]} {
    %get3A = arith.constant 0 : index
    %get3A_0 = arith.constant 0 : index
    %get3A_1 = vector.load %arg3[%get3A, %get3A_0] : memref<1000x128xf32, #tpu.memory_space<vmem>>, vector<1000x1xf32>
    %get3A_2 = arith.constant 0 : index
    %get3A_3 = arith.constant 0 : index
    %get3A_4 = vector.load %arg4[%get3A_2, %get3A_3] : memref<1000x128xf32, #tpu.memory_space<vmem>>, vector<1000x1xf32>
    %add3A = arith.addf %get3A_1, %get3A_4 : vector<1000x1xf32>
    %max3A = arith.constant 1.000000e+00 : f32
    %max3A_5 = vector.broadcast %max3A : f32 to vector<1000x1xf32>
    %max3A_6 = arith.maximumf %add3A, %max3A_5 : vector<1000x1xf32>
    %get3A_7 = arith.constant 0 : index
    %get3A_8 = arith.constant 0 : index
    %get3A_9 = vector.load %arg1[%get3A_7, %get3A_8] : memref<1000x128xf32, #tpu.memory_space<vmem>>, vector<1000x128xf32>
    %get3A_10 = arith.constant 0 : index
    %get3A_11 = arith.constant 0 : index
    %get3A_12 = vector.load %arg2[%get3A_10, %get3A_11] : memref<1000x128xf32, #tpu.memory_space<vmem>>, vector<1000x128xf32>
    %add3A_13 = arith.addf %get3A_9, %get3A_12 : vector<1000x128xf32>
    %div3A = vector.broadcast %max3A_6 : vector<1000x1xf32> to vector<1000x128xf32>
    %div3A_14 = arith.divf %add3A_13, %div3A : vector<1000x128xf32>
    %get3A_15 = arith.constant 0 : index
    %get3A_16 = arith.constant 0 : index
    %get3A_17 = vector.load %arg5[%get3A_15, %get3A_16] : memref<1000x128xf32, #tpu.memory_space<vmem>>, vector<1000x128xf32>
    %add3A_18 = arith.addf %div3A_14, %get3A_17 : vector<1000x128xf32>
    %get3A_19 = arith.constant 0 : index
    %get3A_20 = arith.constant 0 : index
    %get3A_21 = vector.load %arg6[%get3A_19, %get3A_20] : memref<1x128xf32, #tpu.memory_space<vmem>>, vector<1x128xf32>
    %add3A_22 = vector.broadcast %get3A_21 : vector<1x128xf32> to vector<1000x128xf32>
    %add3A_23 = arith.addf %add3A_18, %add3A_22 : vector<1000x128xf32>
    %swap3A = arith.constant 0 : index
    %swap3A_24 = arith.constant 0 : index
    %swap3A_25 = vector.load %arg7[%swap3A, %swap3A_24] : memref<1000x128xf32, #tpu.memory_space<vmem>>, vector<1000x128xf32>
    tpu.vector_store %arg7[%swap3A, %swap3A_24], %add3A_23 {strides = array<i32>} : memref<1000x128xf32, #tpu.memory_space<vmem>>, vector<1000x128xf32>,
    return
  }
  func.func @transform_0(%arg0: i32) -> (i32, i32) {
    %c0_i32 = arith.constant 0 : i32
    %c0_i32_0 = arith.constant 0 : i32
    return %arg0, %c0_i32 : i32, i32
  }
  func.func @transform_1(%arg0: i32) -> (i32, i32) {
    %c0_i32 = arith.constant 0 : i32
    %c0_i32_0 = arith.constant 0 : i32
    return %arg0, %c0_i32 : i32, i32
  }
  func.func @transform_2(%arg0: i32) -> (i32, i32) {
    %c0_i32 = arith.constant 0 : i32
    %c0_i32_0 = arith.constant 0 : i32
    return %arg0, %c0_i32 : i32, i32
  }
  func.func @transform_3(%arg0: i32) -> (i32, i32) {
    %c0_i32 = arith.constant 0 : i32
    %c0_i32_0 = arith.constant 0 : i32
    return %arg0, %c0_i32 : i32, i32
  }
  func.func @transform_4(%arg0: i32) -> (i32, i32) {
    %c0_i32 = arith.constant 0 : i32
    %c0_i32_0 = arith.constant 0 : i32
    return %arg0, %c0_i32 : i32, i32
  }
  func.func @transform_5(%arg0: i32) -> (i32, i32) {
    %c0_i32 = arith.constant 0 : i32
    %c0_i32_0 = arith.constant 0 : i32
    %c0_i32_1 = arith.constant 0 : i32
    return %c0_i32, %c0_i32_0 : i32, i32
  }
  func.func @transform_6(%arg0: i32) -> (i32, i32) {
    %c0_i32 = arith.constant 0 : i32
    %c0_i32_0 = arith.constant 0 : i32
    return %arg0, %c0_i32 : i32, i32
  }
}

</mosaic_0001>

<sc_bundles>
// kernel: kernel.11.cloned.1.call-start
scs
__scs_entry_jumppad:
0x0: {  	(pc) =	sbr.rel $0x88, $3  }
0x1: {  	(tag) =	ssettag $0x0;
	lr =	simm.s32 $0x1  }
0x2: {  	[smem:$0x3F99] =	sst lr;
	_ =	strace $0xD0000000  }
0x3: {  	_ = 	snop  }
0x4: {  	_ = 	snop  }
0x5: {  	_ = 	snop  }
0x6: {  	_ = 	snop  }
0x7: {  	_ = 	snop  }
__scs_overlays_trampoline_lowered:
0x8: {  	[smem:$0x3FA8] =	sst s0  }
0x9: {  	[smem:$0x3FA9] =	sst s1  }
0xa: {  	[smem:$0x3FAA] =	sst s2  }
0xb: {  	[smem:$0x3FAB] =	sst s3  }
0xc: {  	[smem:$0x3FAC] =	sst s4  }
0xd: {  	[smem:$0x3FAD] =	sst s5  }
0xe: {  	[smem:$0x3FAE] =	sst s6  }
0xf: {  	[smem:$0x3FAF] =	sst s7  }
0x10: {  	[smem:$0x3FB0] =	sst s8  }
0x11: {  	[smem:$0x3FB1] =	sst s9;
	s0 =	simm.s32 @!p0 $0x0  }
0x12: {  	s1 =	sld [smem:$0x3F97];
	s0 =	simm.s32 @p0 $0x1  }
0x13: {  	[smem:$0x3FB2] =	sst s0;
	s0 =	simm.s32 @!p1 $0x0  }
0x14: {  	s2 =	sld [smem:$0x3F96];
	s0 =	simm.s32 @p1 $0x1  }
0x15: {  	[smem:$0x3FB3] =	sst s0;
	s0 =	simm.s32 @!p2 $0x0  }
0x16: {  	s3 =	sld [smem:$0x3FDB];
	s0 =	simm.s32 @p2 $0x1  }
0x17: {  	s4 =	simm.s32 $0x1BF5;
	[smem:$0x3FB5] =	sst s0  }
0x18: {  	s0 =	sld [smem:$0x3F98];
	_ =	swait.ge [sflag:s4], $0x0  }
0x19: {  	s7 =	sld [smem:$0x3F99]  }
0x1a: {  	s8 =	sadd.s32 $0xFFFFE003, lr  }
0x1b: {  	s9 =	sadd.s32 $0xFFFFFEF7, lr;
	s5 =	simm.s32 $0xFFFFFFFF;
	p2 =	slt.u32 s8, $0xFFFFF086  }
0x1c: {  	p1 =	slt.u32 s9, $0xF7A;
	s5 =	simm.s32 @!p2 $0x0  }
0x1d: {  	s5 =	simm.s32 @p1 $0x1;
	p0 =	seq.s32 s7, s2  }
0x1e: {  	s7 =	smul.u32 @!p0 $0xF7A, s2;
	p2 =	seq.s32 @!p0 s5, $0x0  }
0x1f: {  	s9 =	smul.u32 $0xF7A, s1;
	s8 =	simm.s32 @!p0 $0x1BF5;
	p2 =	por !p2, p0  }
0x20: {  	[sflag:s8] =	ssyncset.s32 @!p0 $0xFFFFF086;
	s6 =	sadd.s32 @!p0 s3, s7;
	s7 =	simm.s32 @!p0 $0x108  }
0x21: {  	s3 =	sadd.s32 s3, s9;
	s6 =	sadd.s32 @!p0 $0x88, s6;
	s7 =	simm.s32 @p2 $0x1082  }
0x22: {  	[simem:s7], [sflag:s8] =	dma.local @!p0 [hbm:s6], $0xF7A  }
0x23: {  	s9 =	sor.u32 $0xD0000000, s2;
	s6 =	simm.s32 $0x108;
	_ =	swait.ge @!p0 [sflag:s8], $0x0  }
0x24: {  	s3 =	sadd.s32 $0x88, s3;
	s6 =	simm.s32 @!p1 $0x1082;
	[sflag:s4] =	ssyncset.s32 $0xFFFFF086  }
0x25: {  	[simem:s6], [sflag:s4] =	dma.local [hbm:s3], $0xF7A  }
0x26: {  	[smem:$0x3F99] =	sst s1;
	(tag) =	ssettag s2;
	_ =	strace s9  }
0x27: {  	s1 =	sld [smem:$0x3FA9]  }
0x28: {  	s2 =	sld [smem:$0x3FAA]  }
0x29: {  	s4 =	sld [smem:$0x3FAC]  }
0x2a: {  	p0 =	seq.s32 s5, $0x0;
	s5 =	sld [smem:$0x3FAD]  }
0x2b: {  	s6 =	sld [smem:$0x3FAE]  }
0x2c: {  	s7 =	sld [smem:$0x3FAF]  }
0x2d: {  	s3 =	simm.s32 $0x108;
	s8 =	sld [smem:$0x3FB0]  }
0x2e: {  	s3 =	simm.s32 @!p0 $0x1082;
	s9 =	sld [smem:$0x3FB1]  }
0x2f: {  	lr =	sadd.s32 s0, s3;
	s0 =	sld [smem:$0x3FA8]  }
0x30: {  	s3 =	sld [smem:$0x3FAB]  }
0x31: {  	[smem:$0x3FB4] =	sst s10  }
0x32: {  	s10 =	sld [smem:$0x3FB2];
	_ =	sdelay $0x3  }
0x33: {  	p0 =	seq.s32 s10, $0x1;
	s10 =	sld [smem:$0x3FB4];
	_ =	sdelay $0x3  }
0x34: {  	[smem:$0x3FB4] =	sst s10  }
0x35: {  	s10 =	sld [smem:$0x3FB3];
	_ =	sdelay $0x3  }
0x36: {  	p1 =	seq.s32 s10, $0x1;
	s10 =	sld [smem:$0x3FB4];
	_ =	sdelay $0x3  }
0x37: {  	[smem:$0x3FB4] =	sst s10  }
0x38: {  	s10 =	sld [smem:$0x3FB5]  }
0x39: {  	_ = 	snop;
	(pc) =	sbr.ind lr, $3  }
0x3a: {  	_ = 	snop  }
0x3b: {  	_ = 	snop  }
0x3c: {  	p2 =	seq.s32 s10, $0x1;
	s10 =	sld [smem:$0x3FB4]  }
0x3d: {  	_ =	shalt  }
0x3e: {  	_ =	shalt  }
0x3f: {  	_ =	shalt  }
0x40: {  	_ =	shalt  }
0x41: {  	_ =	shalt  }
0x42: {  	_ =	shalt  }
0x43: {  	_ =	shalt  }
0x44: {  	_ =	shalt  }
0x45: {  	_ =	shalt  }
0x46: {  	_ =	shalt  }
0x47: {  	_ =	shalt  }
0x48: {  	_ =	shalt  }
0x49: {  	_ =	shalt  }
0x4a: {  	_ =	shalt  }
0x4b: {  	_ =	shalt  }
0x4c: {  	_ =	shalt  }
0x4d: {  	_ =	shalt  }
0x4e: {  	_ =	shalt  }
0x4f: {  	_ =	shalt  }
0x50: {  	_ =	shalt  }
0x51: {  	_ =	shalt  }
0x52: {  	_ =	shalt  }
0x53: {  	_ =	shalt  }
0x54: {  	_ =	shalt  }
0x55: {  	_ =	shalt  }
0x56: {  	_ =	shalt  }
0x57: {  	_ =	shalt  }
0x58: {  	_ =	shalt  }
0x59: {  	_ =	shalt  }
0x5a: {  	_ =	shalt  }
0x5b: {  	_ =	shalt  }
0x5c: {  	_ =	shalt  }
0x5d: {  	_ =	shalt  }
0x5e: {  	_ =	shalt  }
0x5f: {  	_ =	shalt  }
0x60: {  	_ =	shalt  }
0x61: {  	_ =	shalt  }
0x62: {  	_ =	shalt  }
0x63: {  	_ =	shalt  }
0x64: {  	_ =	shalt  }
0x65: {  	_ =	shalt  }
0x66: {  	_ =	shalt  }
0x67: {  	_ =	shalt  }
0x68: {  	_ =	shalt  }
0x69: {  	_ =	shalt  }
0x6a: {  	_ =	shalt  }
0x6b: {  	_ =	shalt  }
0x6c: {  	_ =	shalt  }
0x6d: {  	_ =	shalt  }
0x6e: {  	_ =	shalt  }
0x6f: {  	_ =	shalt  }
0x70: {  	_ =	shalt  }
0x71: {  	_ =	shalt  }
0x72: {  	_ =	shalt  }
0x73: {  	_ =	shalt  }
0x74: {  	_ =	shalt  }
0x75: {  	_ =	shalt  }
0x76: {  	_ =	shalt  }
0x77: {  	_ =	shalt  }
0x78: {  	_ =	shalt  }
0x79: {  	_ =	shalt  }
0x7a: {  	_ =	shalt  }
0x7b: {  	_ =	shalt  }
0x7c: {  	_ =	shalt  }
0x7d: {  	_ =	shalt  }
0x7e: {  	_ =	shalt  }
0x7f: {  	_ =	shalt  }
0x80: {  	_ =	shalt  }
0x81: {  	_ =	shalt  }
0x82: {  	_ =	shalt  }
0x83: {  	_ =	shalt  }
0x84: {  	_ =	shalt  }
0x85: {  	_ =	shalt  }
0x86: {  	_ =	shalt  }
0x87: {  	_ =	shalt  }
.Lfunc_end0:
.L_simem_size_0:
called_computation_lowered:
.L_overlay_start_0:
0x88: {  	s2 =	sld [smem:$0x3FD9]  }
0x89: {  	s3 =	sld [smem:$0x3FFE];
	_ =	sdelay $0x1  }
0x8a: {  	s1 =	srdreg.scid  }
0x8b: {  	s0 =	sand.u32 $0x1, s1  }
0x8c: {  	s16 =	sshll.u32 s0, $0xA;
	s2 =	sadd.s32 s3, s2  }
0x8d: {  	s2 =	sadd.s32 s2, s16  }
0x8e: {  	[smem:$0x3FC0] =	sst s2  }
0x8f: {  	_ = 	snop  }
0x90: {  	(tm) =	ssettm $0x1  }
0x91: {  	s17 =	sld [smem:$0x3FFB];
	_ =	sdelay $0x3  }
0x92: {  	_ =	strace s17  }
0x93: {  	s2 =	sld [smem:$0x3FFC];
	_ =	sdelay $0x3  }
0x94: {  	_ =	strace s2  }
0x95: {  	s2 =	sld [smem:$0x3FFD];
	_ =	sdelay $0x3  }
0x96: {  	_ =	strace s2  }
0x97: {  	_ =	strace $0x8FFFFFFF  }
0x98: {  	s18 =	sld [smem:$0x3FDB];
	_ =	sdelay $0x1  }
0x99: {  	s19 =	simm.s32 $_scs_section_size  }
0x9a: {  	s4 =	simm.s32 $_size__tile_overlayer_lowered;
	s5 =	simm.s32 $_tile_overlayer_lowered  }
0x9b: {  	s22 =	simm.s32 $0x1BFF;
	s21 =	sshll.u32 s5, $0x1;
	s2 =	sadd.s32 s19, s18  }
0x9c: {  	s6 =	simm.s32 $0x0;
	s20 =	sshll.u32 s4, $0x1;
	s4 =	sadd.s32 s21, s2  }
0x9d: {  	[timem:s6], [sflag:s22] =	dma.local [hbm:s4], s20  }
0x9e: {  	_ =	swait.ge [sflag:s22], s20  }
0x9f: {  	s3 =	ssub.s32 $0x0, s20;
	[sflag:s22] =	ssyncset.done $0x0  }
0xa0: {  	[sflag:s22] =	ssyncadd.s32 s3;
	_ =	sdelay $0x1  }
0xa1: {  	s23 =	simm.s32 $0x1B8B  }
0xa2: {  	_ =	swait.ge [sflag:s23], $0x1  }
0xa3: {  	[sflag:s23] =	ssyncset.done $0x0  }
0xa4: {  	s25 =	simm.s32 $0x1B8E;
	s24 =	sld [smem:$0x3FFE];
	[sflag:s23] =	ssyncadd.s32 $0xFFFFFFFF  }
0xa5: {  	s26 =	simm.s32 $execute0_lowered;
	[smem:$0x3FD2] =	sst s25  }
0xa6: {  	s4 =	sshll.u32 s26, $0x1;
	_ =	strace $0x80000046;
	[dreg:$0x1] =	wrdreg $0xFFFFFFFF  }
0xa7: {  	s28 =	simm.s32 $_size_execute0_lowered;
	s2 =	sadd.s32 s2, s4;
	[dreg:$0x0] =	wrdreg $0x0  }
0xa8: {  	s4 =	sshll.u32 s28, $0x1;
	[dreg:$0x2] =	wrdreg s2  }
0xa9: {  	[dreg:$0x3] =	wrdreg s4  }
0xaa: {  	[dreg:$0x4] =	wrdreg $0xC0  }
0xab: {  	_ =	task [dreg:s6], $0x5FFFF  }
0xac: {  	[dreg:$0x1] =	wrdreg $0xFFFFFFFF  }
0xad: {  	[dreg:$0x0] =	wrdreg $0x60  }
0xae: {  	[dreg:$0x2] =	wrdreg s24  }
0xaf: {  	[dreg:$0x3] =	wrdreg $0x40800  }
0xb0: {  	[dreg:$0x4] =	wrdreg $0x9  }
0xb1: {  	_ =	task.clear_ibuf [dreg:s6], $0x5FFFF;
	_ =	strace $0x90000046  }
0xb2: {  	s29 =	simm.s32 $0x9;
	_ =	strace $0x80000048  }
0xb3: {  	_ =	swait.ge [sflag:s29], $0x1  }
0xb4: {  	[sflag:s29] =	ssyncadd.s32 $0xFFFFFFFF  }
0xb5: {  	_ =	strace $0x90000048  }
0xb6: {  	_ =	sfence  }
0xb7: {  	s30 =	sld [smem:$0x0];
	_ =	sdelay $0x2  }
0xb8: {  	s31 =	sshll.u32 s1, $0xD;
	s1 =	sshrl.u32 s1, $0x2  }
0xb9: {  	s3 =	sand.u32 $0x4000, s31;
	s1 =	sadd.s32 s1, s30  }
0xba: {  	s0 =	sor.u32 s3, s0;
	s1 =	sshll.u32 s1, $0x11  }
0xbb: {  	s0 =	sor.u32 s1, s0  }
0xbc: {  	s0 =	sadd.s32 $0x8F2B, s0  }
0xbd: {  	[sflag:s0] =	ssyncadd.remote.s32 $0x1  }
0xbe: {  	_ =	sfence.sel $0xFFFF  }
0xbf: {  	[dreg:$0x0] =	wrdreg $0xFFFFFFFF;
	(pc) =	sbr.abs _section_cstart, $3  }
0xc0: {  	[dreg:$0x1] =	wrdreg $0xFFFFFFFF  }
0xc1: {  	_ =	task.clear_ibuf [dreg:s6], $0x2FFFF;
	_ =	strace $0x9FFFFFFF  }
0xc2: {  	(tm) =	ssettm $0x7FFFFFFF  }
0xc3: {  	_ =	shalt  }
tec
execute0_lowered:
.L_overlay_start_1:
0x0: {  	(tag) =	ssettag $0x1  }
0x1: {  	s0 =	srdreg.scid  }
0x2: {  	s6 =	rddreg [dreg:$0x0];
	s1 =	stileid.u32  }
0x3: {  	s2 =	rddreg [dreg:$0x1];
	s8 =	smul.u32 $0x13C00, s1  }
0x4: {  	s3 =	simm.s32 $0x0;
	s13 =	simm.s32 $0x0;
	s10 =	smul.u32 $0x4F000, s1  }
0x5: {  	s7 =	sand.u32 $0x1, s0;
	s0 =	rddreg [dreg:$0x2];
	s11 =	smul.u32 $0x280, s1  }
0x6: {  	[smem:$0x7FF] =	sst s3;
	s31 =	sshll.u32 s1, $0x6;
	s4 =	smul.u32 $0x2800, s7  }
0x7: {  	s5 =	smul.u32 $0x13C000, s7;
	_ =	strace $0x80000047;
	s30 =	ssub.s32 $0x2, s7  }
0x8: {  	s7 =	sshrl.u32 s30, $0x1;
	s10 =	sshrl.u32 s10, $0x2;
	s9 =	sadd.s32 s4, s6  }
0x9: {  	s5 =	sadd.s32 s8, s5;
	s4 =	sadd.s32 $0x9200, s6;
	s12 =	ssub.s32 s30, s7  }
0xa: {  	s10 =	sadd.s32 s10, s2;
	s8 =	sshrl.u32 s5, $0x3;
	s5 =	sadd.s32 $0xBA00, s6  }
0xb: {  	s9 =	sadd.s32 s11, s9;
	s10 =	sshrl.u32 s10, $0x3;
	s11 =	simm.s32 $0x1  }
0xc: {  	s8 =	sadd.s32 s8, s6;
	s6 =	sor.u32 $0x1C01, s31;
	s9 =	sadd.s32 $0x4200, s9  }
0xd: {  	s7 =	sadd.s32 $0xC200, s8;
	s8 =	smax.u32 s12, $0x1;
	s12 =	simm.s32 $0x80  }
.LBB2_1:
0xe: {  	[spmem:s10], [sflag:s6] =	dma.local [hbm:s4], $0x2780  }
0xf: {  	_ =	swait.ge [sflag:s11], $0x2780  }
0x10: {  	[sflag:s11] =	ssyncset.done $0x0  }
0x11: {  	[sflag:s11] =	ssyncadd.s32 $0xFFFFD880  }
0x12: {  	[tilespmem:s12], [sflag:$0x1] =	stream.linear.gather [hbm4b:s5+s3], $0x4000, $0x38;
	[tilespmem:$0x17C80] =	vst v63  }
0x13: {  	_ =	swait.ge [sflag:s11], $0x4000  }
0x14: {  	[sflag:s11] =	ssyncset.done $0x0  }
0x15: {  	[sflag:s11] =	ssyncadd.s32 $0xFFFFC000  }
0x16: {  	s14 =	sadd.s32 $0x0, s9;
	[bflag:$0x0] =	sbarrier.arrive $0xFFFF  }
0x17: {  	[tilespmem:s3], [sflag:$0x1] =	stream.linear.gather [hbm4b:s14+s3], $0x80, $0x38;
	[tilespmem:$0x17C80] =	vst v63  }
0x18: {  	_ =	swait.ge [sflag:s11], $0x80  }
0x19: {  	[sflag:s11] =	ssyncset.done $0x0  }
0x1a: {  	[sflag:s11] =	ssyncadd.s32 $0xFFFFFF80  }
0x1b: {  	[spmem:s2] =	stream.indirect.scatter.add.f32 [tilespmem:s12], [sflag:$0x1], $0x80, s3, s12, $0xb8;
	[tilespmem:$0x17C80] =	vst v63  }
0x1c: {  	_ =	swait.ge [sflag:s11], $0x4000  }
0x1d: {  	s15 =	simm.s32 $0x20;
	s14 =	simm.s32 $0x10;
	[sflag:s11] =	ssyncset.done $0x0  }
.LBB2_2:
0x1e: {  	s16 =	sadd.s32 s14, s9  }
0x1f: {  	[sflag:s11] =	ssyncadd.s32 $0xFFFFC000;
	s14 =	smov.u32 s15;
	s17 =	sadd.s32 $0x10, s15  }
0x20: {  	[tilespmem:s3], [sflag:$0x1] =	stream.linear.gather [hbm4b:s16+s3], $0x80, $0x38;
	[tilespmem:$0x17C80] =	vst v63  }
0x21: {  	p0 =	sne.s32 s15, $0x270;
	_ =	swait.ge [sflag:s11], $0x80  }
.Ltmp0:
0x22: {  	[sflag:s11] =	ssyncset.done $0x0;
	(pc) =	sbr.rel @p0 .LBB2_2-.Ltmp0, $4  }
0x23: {  	[sflag:s11] =	ssyncadd.s32 $0xFFFFFF80  }
0x24: {  	[spmem:s2] =	stream.indirect.scatter.add.f32 [tilespmem:s12], [sflag:$0x1], $0x80, s3, s12, $0xb8;
	[tilespmem:$0x17C80] =	vst v63  }
0x25: {  	_ =	swait.ge [sflag:s11], $0x4000  }
0x26: {  	s15 =	smov.u32 s17;
	[sflag:s11] =	ssyncset.done $0x0  }
0x27: {  	s14 =	sadd.s32 s14, s9;
	[sflag:s11] =	ssyncadd.s32 $0xFFFFC000  }
0x28: {  	[tilespmem:s3], [sflag:$0x1] =	stream.linear.gather [hbm4b:s14+s3], $0x80, $0x38;
	[tilespmem:$0x17C80] =	vst v63  }
0x29: {  	_ =	swait.ge [sflag:s11], $0x80  }
0x2a: {  	[sflag:s11] =	ssyncset.done $0x0  }
0x2b: {  	[sflag:s11] =	ssyncadd.s32 $0xFFFFFF80  }
0x2c: {  	[spmem:s2] =	stream.indirect.scatter.add.f32 [tilespmem:s12], [sflag:$0x1], $0x80, s3, s12, $0xb8;
	[tilespmem:$0x17C80] =	vst v63  }
0x2d: {  	_ =	swait.ge [sflag:s11], $0x4000  }
0x2e: {  	s13 =	sadd.s32 $0x1, s13;
	[sflag:s11] =	ssyncset.done $0x0  }
0x2f: {  	p0 =	sne.s32 s13, s8;
	[sflag:s11] =	ssyncadd.s32 $0xFFFFC000  }
.Ltmp1:
0x30: {  	[bflag:$0x0] =	sbarrier.arrive $0xFFFF;
	(pc) =	sbr.rel @p0 .LBB2_1-.Ltmp1, $4  }
0x31: {  	[hbm:s7], [sflag:s6] =	dma.local [spmem:s10], $0x2780  }
0x32: {  	_ =	swait.ge [sflag:s11], $0x2780  }
0x33: {  	[sflag:s11] =	ssyncset.done $0x0  }
0x34: {  	[sflag:s11] =	ssyncadd.s32 $0xFFFFD880  }
0x35: {  	_ =	sfence.sel $0x180000  }
0x36: {  	[bflag:$0x0] =	sbarrier.arrive $0xFFFF  }
0x37: {  	p0 =	sne.s32 s1, $0x0;
	_ =	strace $0x90000047  }
0x38: {  	s0 =	sadd.s32 @!p0 $0x100000, s0;
	[bflag:$0x2] =	sbarrier.arrive $0xFFFF  }
0x39: {  	[sflag:s0] =	ssyncadd.tile.s32 @!p0 $0x1;
	_ =	shalt  }
.Lfunc_end2:
_tile_overlayer_lowered:
.L_overlay_start_2:
0x3a: {  	(tag) =	ssettag $0x2  }
0x3b: {  	s0 =	rddreg [dreg:$0x0];
	s2 =	stileid.u32  }
0x3c: {  	s1 =	rddreg [dreg:$0x1];
	p0 =	sne.s32 s2, $0x0  }
0x3d: {  	s3 =	rddreg [dreg:$0x2];
	[bflag:$0x3] =	sbarrier.arrive $0xFFFF;
	s2 =	simm.s32 @!p0 $0x1C01  }
0x3e: {  	[timem:s3], [sflag:s2] =	dma.local @!p0 [hbm:s0], s1  }
0x3f: {  	s0 =	simm.s32 @!p0 $0x1  }
0x40: {  	_ =	swait.ge @!p0 [sflag:s0], s1  }
0x41: {  	s1 =	ssub.s32 @!p0 $0x0, s1;
	[sflag:s0] =	ssyncset.done @!p0 $0x0  }
0x42: {  	[sflag:s0] =	ssyncadd.s32 @!p0 s1  }
0x43: {  	[bflag:$0x3] =	sbarrier.arrive $0xFFFF  }
0x44: {  	_ =	shalt  }

// kernel: kernel.14.cloned.1.call-start
scs
__scs_entry_jumppad:
0x0: {  	(pc) =	sbr.rel $0x88, $3  }
0x1: {  	(tag) =	ssettag $0x0;
	lr =	simm.s32 $0x1  }
0x2: {  	[smem:$0x3F99] =	sst lr;
	_ =	strace $0xD0000000  }
0x3: {  	_ = 	snop  }
0x4: {  	_ = 	snop  }
0x5: {  	_ = 	snop  }
0x6: {  	_ = 	snop  }
0x7: {  	_ = 	snop  }
__scs_overlays_trampoline_lowered:
0x8: {  	[smem:$0x3FA8] =	sst s0  }
0x9: {  	[smem:$0x3FA9] =	sst s1  }
0xa: {  	[smem:$0x3FAA] =	sst s2  }
0xb: {  	[smem:$0x3FAB] =	sst s3  }
0xc: {  	[smem:$0x3FAC] =	sst s4  }
0xd: {  	[smem:$0x3FAD] =	sst s5  }
0xe: {  	[smem:$0x3FAE] =	sst s6  }
0xf: {  	[smem:$0x3FAF] =	sst s7  }
0x10: {  	[smem:$0x3FB0] =	sst s8  }
0x11: {  	[smem:$0x3FB1] =	sst s9;
	s0 =	simm.s32 @!p0 $0x0  }
0x12: {  	s1 =	sld [smem:$0x3F97];
	s0 =	simm.s32 @p0 $0x1  }
0x13: {  	[smem:$0x3FB2] =	sst s0;
	s0 =	simm.s32 @!p1 $0x0  }
0x14: {  	s2 =	sld [smem:$0x3F96];
	s0 =	simm.s32 @p1 $0x1  }
0x15: {  	[smem:$0x3FB3] =	sst s0;
	s0 =	simm.s32 @!p2 $0x0  }
0x16: {  	s3 =	sld [smem:$0x3FDB];
	s0 =	simm.s32 @p2 $0x1  }
0x17: {  	s4 =	simm.s32 $0x1BF5;
	[smem:$0x3FB5] =	sst s0  }
0x18: {  	s0 =	sld [smem:$0x3F98];
	_ =	swait.ge [sflag:s4], $0x0  }
0x19: {  	s7 =	sld [smem:$0x3F99]  }
0x1a: {  	s8 =	sadd.s32 $0xFFFFE003, lr  }
0x1b: {  	s9 =	sadd.s32 $0xFFFFFEF7, lr;
	s5 =	simm.s32 $0xFFFFFFFF;
	p2 =	slt.u32 s8, $0xFFFFF086  }
0x1c: {  	p1 =	slt.u32 s9, $0xF7A;
	s5 =	simm.s32 @!p2 $0x0  }
0x1d: {  	s5 =	simm.s32 @p1 $0x1;
	p0 =	seq.s32 s7, s2  }
0x1e: {  	s7 =	smul.u32 @!p0 $0xF7A, s2;
	p2 =	seq.s32 @!p0 s5, $0x0  }
0x1f: {  	s9 =	smul.u32 $0xF7A, s1;
	s8 =	simm.s32 @!p0 $0x1BF5;
	p2 =	por !p2, p0  }
0x20: {  	[sflag:s8] =	ssyncset.s32 @!p0 $0xFFFFF086;
	s6 =	sadd.s32 @!p0 s3, s7;
	s7 =	simm.s32 @!p0 $0x108  }
0x21: {  	s3 =	sadd.s32 s3, s9;
	s6 =	sadd.s32 @!p0 $0x88, s6;
	s7 =	simm.s32 @p2 $0x1082  }
0x22: {  	[simem:s7], [sflag:s8] =	dma.local @!p0 [hbm:s6], $0xF7A  }
0x23: {  	s9 =	sor.u32 $0xD0000000, s2;
	s6 =	simm.s32 $0x108;
	_ =	swait.ge @!p0 [sflag:s8], $0x0  }
0x24: {  	s3 =	sadd.s32 $0x88, s3;
	s6 =	simm.s32 @!p1 $0x1082;
	[sflag:s4] =	ssyncset.s32 $0xFFFFF086  }
0x25: {  	[simem:s6], [sflag:s4] =	dma.local [hbm:s3], $0xF7A  }
0x26: {  	[smem:$0x3F99] =	sst s1;
	(tag) =	ssettag s2;
	_ =	strace s9  }
0x27: {  	s1 =	sld [smem:$0x3FA9]  }
0x28: {  	s2 =	sld [smem:$0x3FAA]  }
0x29: {  	s4 =	sld [smem:$0x3FAC]  }
0x2a: {  	p0 =	seq.s32 s5, $0x0;
	s5 =	sld [smem:$0x3FAD]  }
0x2b: {  	s6 =	sld [smem:$0x3FAE]  }
0x2c: {  	s7 =	sld [smem:$0x3FAF]  }
0x2d: {  	s3 =	simm.s32 $0x108;
	s8 =	sld [smem:$0x3FB0]  }
0x2e: {  	s3 =	simm.s32 @!p0 $0x1082;
	s9 =	sld [smem:$0x3FB1]  }
0x2f: {  	lr =	sadd.s32 s0, s3;
	s0 =	sld [smem:$0x3FA8]  }
0x30: {  	s3 =	sld [smem:$0x3FAB]  }
0x31: {  	[smem:$0x3FB4] =	sst s10  }
0x32: {  	s10 =	sld [smem:$0x3FB2];
	_ =	sdelay $0x3  }
0x33: {  	p0 =	seq.s32 s10, $0x1;
	s10 =	sld [smem:$0x3FB4];
	_ =	sdelay $0x3  }
0x34: {  	[smem:$0x3FB4] =	sst s10  }
0x35: {  	s10 =	sld [smem:$0x3FB3];
	_ =	sdelay $0x3  }
0x36: {  	p1 =	seq.s32 s10, $0x1;
	s10 =	sld [smem:$0x3FB4];
	_ =	sdelay $0x3  }
0x37: {  	[smem:$0x3FB4] =	sst s10  }
0x38: {  	s10 =	sld [smem:$0x3FB5]  }
0x39: {  	_ = 	snop;
	(pc) =	sbr.ind lr, $3  }
0x3a: {  	_ = 	snop  }
0x3b: {  	_ = 	snop  }
0x3c: {  	p2 =	seq.s32 s10, $0x1;
	s10 =	sld [smem:$0x3FB4]  }
0x3d: {  	_ =	shalt  }
0x3e: {  	_ =	shalt  }
0x3f: {  	_ =	shalt  }
0x40: {  	_ =	shalt  }
0x41: {  	_ =	shalt  }
0x42: {  	_ =	shalt  }
0x43: {  	_ =	shalt  }
0x44: {  	_ =	shalt  }
0x45: {  	_ =	shalt  }
0x46: {  	_ =	shalt  }
0x47: {  	_ =	shalt  }
0x48: {  	_ =	shalt  }
0x49: {  	_ =	shalt  }
0x4a: {  	_ =	shalt  }
0x4b: {  	_ =	shalt  }
0x4c: {  	_ =	shalt  }
0x4d: {  	_ =	shalt  }
0x4e: {  	_ =	shalt  }
0x4f: {  	_ =	shalt  }
0x50: {  	_ =	shalt  }
0x51: {  	_ =	shalt  }
0x52: {  	_ =	shalt  }
0x53: {  	_ =	shalt  }
0x54: {  	_ =	shalt  }
0x55: {  	_ =	shalt  }
0x56: {  	_ =	shalt  }
0x57: {  	_ =	shalt  }
0x58: {  	_ =	shalt  }
0x59: {  	_ =	shalt  }
0x5a: {  	_ =	shalt  }
0x5b: {  	_ =	shalt  }
0x5c: {  	_ =	shalt  }
0x5d: {  	_ =	shalt  }
0x5e: {  	_ =	shalt  }
0x5f: {  	_ =	shalt  }
0x60: {  	_ =	shalt  }
0x61: {  	_ =	shalt  }
0x62: {  	_ =	shalt  }
0x63: {  	_ =	shalt  }
0x64: {  	_ =	shalt  }
0x65: {  	_ =	shalt  }
0x66: {  	_ =	shalt  }
0x67: {  	_ =	shalt  }
0x68: {  	_ =	shalt  }
0x69: {  	_ =	shalt  }
0x6a: {  	_ =	shalt  }
0x6b: {  	_ =	shalt  }
0x6c: {  	_ =	shalt  }
0x6d: {  	_ =	shalt  }
0x6e: {  	_ =	shalt  }
0x6f: {  	_ =	shalt  }
0x70: {  	_ =	shalt  }
0x71: {  	_ =	shalt  }
0x72: {  	_ =	shalt  }
0x73: {  	_ =	shalt  }
0x74: {  	_ =	shalt  }
0x75: {  	_ =	shalt  }
0x76: {  	_ =	shalt  }
0x77: {  	_ =	shalt  }
0x78: {  	_ =	shalt  }
0x79: {  	_ =	shalt  }
0x7a: {  	_ =	shalt  }
0x7b: {  	_ =	shalt  }
0x7c: {  	_ =	shalt  }
0x7d: {  	_ =	shalt  }
0x7e: {  	_ =	shalt  }
0x7f: {  	_ =	shalt  }
0x80: {  	_ =	shalt  }
0x81: {  	_ =	shalt  }
0x82: {  	_ =	shalt  }
0x83: {  	_ =	shalt  }
0x84: {  	_ =	shalt  }
0x85: {  	_ =	shalt  }
0x86: {  	_ =	shalt  }
0x87: {  	_ =	shalt  }
.Lfunc_end0:
.L_simem_size_0:
called_computation.1_lowered:
.L_overlay_start_0:
0x88: {  	s2 =	sld [smem:$0x3FD9]  }
0x89: {  	s3 =	sld [smem:$0x3FFE];
	_ =	sdelay $0x1  }
0x8a: {  	s1 =	srdreg.scid  }
0x8b: {  	s0 =	sand.u32 $0x1, s1  }
0x8c: {  	s17 =	sshll.u32 s0, $0xA;
	s2 =	sadd.s32 s3, s2  }
0x8d: {  	s2 =	sadd.s32 s2, s17  }
0x8e: {  	[smem:$0x3FC0] =	sst s2  }
0x8f: {  	_ = 	snop  }
0x90: {  	s18 =	sld [smem:$0x3FD0];
	(tm) =	ssettm $0x1  }
0x91: {  	s19 =	sld [smem:$0x3FFB];
	_ =	sdelay $0x3  }
0x92: {  	_ =	strace s19  }
0x93: {  	s2 =	sld [smem:$0x3FFC];
	_ =	sdelay $0x3  }
0x94: {  	_ =	strace s2  }
0x95: {  	s2 =	sld [smem:$0x3FFD];
	_ =	sdelay $0x3  }
0x96: {  	_ =	strace s2  }
0x97: {  	_ =	strace $0x8FFFFFFF  }
0x98: {  	s20 =	sld [smem:$0x3FDB];
	_ =	sdelay $0x1  }
0x99: {  	s4 =	simm.s32 $_scs_section_size  }
0x9a: {  	s5 =	simm.s32 $_size__tile_overlayer_lowered;
	s6 =	simm.s32 $_tile_overlayer_lowered  }
0x9b: {  	s7 =	simm.s32 $0x1BFF;
	s21 =	sshll.u32 s6, $0x1;
	s4 =	sadd.s32 s4, s20  }
0x9c: {  	s22 =	simm.s32 $0x0;
	s5 =	sshll.u32 s5, $0x1;
	s6 =	sadd.s32 s21, s4  }
0x9d: {  	[timem:s22], [sflag:s7] =	dma.local [hbm:s6], s5  }
0x9e: {  	_ =	swait.ge [sflag:s7], s5  }
0x9f: {  	s5 =	ssub.s32 $0x0, s5;
	[sflag:s7] =	ssyncset.done $0x0  }
0xa0: {  	[sflag:s7] =	ssyncadd.s32 s5;
	_ =	sdelay $0x1  }
0xa1: {  	s23 =	simm.s32 $0x1B8B  }
0xa2: {  	_ =	swait.ge [sflag:s23], $0x1  }
0xa3: {  	[sflag:s23] =	ssyncset.done $0x0  }
0xa4: {  	[sflag:s23] =	ssyncadd.s32 $0xFFFFFFFF  }
0xa5: {  	s5 =	sld [smem:$0x0]  }
0xa6: {  	s6 =	sand.u32 $0xFFFFFFFE, s1  }
0xa7: {  	p0 =	sne.s32 s1, s6  }
0xa8: {  	s6 =	sshll.u32 @p0 s6, $0xE  }
0xa9: {  	s6 =	sadd.s32 @p0 $0x11B8D, s6;
	s7 =	sshll.u32 @p0 s5, $0x11  }
0xaa: {  	s6 =	sor.u32 @p0 s7, s6  }
0xab: {  	[sflag:s6] =	ssyncadd.remote.s32 @p0 $0x1;
	_ =	sdelay $0x1  }
0xac: {  	s6 =	simm.s32 @p0 $0x1B8D  }
0xad: {  	_ =	swait.eq @p0 [sflag:s6], $0x1  }
0xae: {  	[sflag:s6] =	ssyncadd.s32 @p0 $0xFFFFFFFF  }
0xaf: {  	s7 =	sshll.u32 @!p0 s1, $0xE  }
0xb0: {  	s7 =	sor.u32 @!p0 $0x4000, s7;
	s6 =	simm.s32 @!p0 $0x1B8D  }
0xb1: {  	s5 =	sshll.u32 @!p0 s5, $0x11;
	s7 =	sadd.s32 @!p0 $0x11B8D, s7;
	_ =	swait.eq @!p0 [sflag:s6], $0x1  }
0xb2: {  	s5 =	sor.u32 @!p0 s5, s7;
	[sflag:s6] =	ssyncadd.s32 @!p0 $0xFFFFFFFF  }
0xb3: {  	s25 =	simm.s32 $0x1B8E;
	s24 =	sld [smem:$0x3FFE];
	[sflag:s5] =	ssyncadd.remote.s32 @!p0 $0x1  }
0xb4: {  	s26 =	simm.s32 $execute0_lowered;
	[smem:$0x3FD2] =	sst s25  }
0xb5: {  	s6 =	sshll.u32 s26, $0x1;
	_ =	strace $0x80000049;
	[dreg:$0x1] =	wrdreg $0xFFFFFFFF  }
0xb6: {  	s28 =	simm.s32 $_size_execute0_lowered;
	s4 =	sadd.s32 s4, s6;
	[dreg:$0x0] =	wrdreg $0x0  }
0xb7: {  	s6 =	sshll.u32 s28, $0x1;
	[dreg:$0x2] =	wrdreg s4  }
0xb8: {  	[dreg:$0x3] =	wrdreg s6  }
0xb9: {  	[dreg:$0x4] =	wrdreg $0xC0  }
0xba: {  	_ =	task [dreg:s22], $0x5FFFF  }
0xbb: {  	[dreg:$0x1] =	wrdreg $0xFFFFFFFF  }
0xbc: {  	[dreg:$0x0] =	wrdreg $0x60  }
0xbd: {  	[dreg:$0x2] =	wrdreg s18  }
0xbe: {  	[dreg:$0x3] =	wrdreg s24  }
0xbf: {  	[dreg:$0x4] =	wrdreg $0xA9000  }
0xc0: {  	[dreg:$0x5] =	wrdreg $0xA  }
0xc1: {  	_ =	task.clear_ibuf [dreg:s22], $0x6FFFF;
	_ =	strace $0x90000049  }
0xc2: {  	s29 =	simm.s32 $0xA;
	_ =	strace $0x8000004B  }
0xc3: {  	_ =	swait.ge [sflag:s29], $0x1  }
0xc4: {  	[sflag:s29] =	ssyncadd.s32 $0xFFFFFFFF  }
0xc5: {  	_ =	strace $0x9000004B  }
0xc6: {  	_ =	sfence  }
0xc7: {  	s30 =	sld [smem:$0x0];
	_ =	sdelay $0x2  }
0xc8: {  	s31 =	sshll.u32 s1, $0xD;
	s1 =	sshrl.u32 s1, $0x2  }
0xc9: {  	s4 =	sand.u32 $0x4000, s31;
	s1 =	sadd.s32 s1, s30  }
0xca: {  	s0 =	sor.u32 s4, s0;
	s1 =	sshll.u32 s1, $0x11  }
0xcb: {  	s0 =	sor.u32 s1, s0  }
0xcc: {  	s0 =	sadd.s32 $0x8F2B, s0  }
0xcd: {  	[sflag:s0] =	ssyncadd.remote.s32 $0x1  }
0xce: {  	_ =	sfence.sel $0xFFFF  }
0xcf: {  	[dreg:$0x0] =	wrdreg $0xFFFFFFFF;
	(pc) =	sbr.abs _section_cstart, $3  }
0xd0: {  	[dreg:$0x1] =	wrdreg $0xFFFFFFFF  }
0xd1: {  	_ =	task.clear_ibuf [dreg:s22], $0x2FFFF;
	_ =	strace $0x9FFFFFFF  }
0xd2: {  	(tm) =	ssettm $0x7FFFFFFF  }
0xd3: {  	_ =	shalt  }
tec
execute0_lowered:
.L_overlay_start_1:
0x0: {  	(tag) =	ssettag $0x1  }
0x1: {  	s6 =	rddreg [dreg:$0x0]  }
0x2: {  	s7 =	rddreg [dreg:$0x1]  }
0x3: {  	s1 =	rddreg [dreg:$0x2]  }
0x4: {  	s2 =	srdreg.scid;
	s0 =	rddreg [dreg:$0x3]  }
0x5: {  	s3 =	simm.s32 $0x0;
	s15 =	simm.s32 $0x80;
	s16 =	simm.s32 $0x2900  }
0x6: {  	s17 =	simm.s32 $0x2800;
	s18 =	simm.s32 $0x6900;
	s8 =	sand.u32 $0x1, s2  }
0x7: {  	s19 =	simm.s32 $0x2880;
	s2 =	stileid.u32;
	s5 =	smul.u32 $0x13C000, s8  }
0x8: {  	s20 =	simm.s32 $0x1;
	s21 =	simm.s32 $0x3;
	s9 =	smul.u32 $0x13C00, s2  }
0x9: {  	s22 =	simm.s32 $0x2;
	s23 =	simm.s32 $0x4;
	s10 =	smul.u32 $0x2800, s2  }
0xa: {  	s24 =	simm.s32 $0x0;
	[smem:$0x7FF] =	sst s3;
	s12 =	smul.u32 $0x28000, s8  }
0xb: {  	s11 =	sadd.s32 $0x4200, s7;
	s4 =	sadd.s32 $0x5B200, s7;
	s14 =	smul.u32 $0x4F000, s2  }
0xc: {  	_ =	strace $0x8000004A;
	s8 =	ssub.s32 $0x2, s8;
	s30 =	smul.u32 $0x500, s2  }
0xd: {  	s31 =	sshll.u32 s2, $0x6;
	s13 =	sshrl.u32 s8, $0x1;
	s9 =	sadd.s32 s9, s5  }
0xe: {  	s5 =	sadd.s32 $0x9200, s7;
	s12 =	sadd.s32 s10, s12;
	s13 =	ssub.s32 s8, s13  }
0xf: {  	s28 =	sshrl.u32 s14, $0x2;
	s29 =	sshrl.u32 s10, $0x3;
	s9 =	sshrl.u32 s9, $0x3  }
0x10: {  	s26 =	sshrl.u32 s12, $0x3;
	s14 =	sadd.s32 s28, s1;
	s10 =	smax.u32 s13, $0x1  }
0x11: {  	s12 =	simm.s32 $0x5;
	s13 =	sor.u32 $0x1C05, s31;
	s9 =	sadd.s32 s9, s7  }
0x12: {  	s6 =	sadd.s32 s6, s26;
	s7 =	sadd.s32 s11, s29;
	s11 =	sadd.s32 s30, s11  }
0x13: {  	s14 =	sshrl.u32 s14, $0x3;
	s8 =	sadd.s32 $0x10, s7;
	s9 =	sadd.s32 $0xAE400, s9  }
.LBB2_1:
0x14: {  	[tilespmem:s3], [sflag:$0x5] =	stream.linear.gather [hbm4b:s6+s3], $0x2800, $0x38;
	[tilespmem:$0x1E500] =	vst v63  }
0x15: {  	_ =	swait.ge [sflag:s12], $0x2800  }
0x16: {  	[sflag:s12] =	ssyncset.done $0x0  }
0x17: {  	[sflag:s12] =	ssyncadd.s32 $0xFFFFD800  }
0x18: {  	[spmem:s14], [sflag:s13] =	dma.local [hbm:s5], $0x2780  }
0x19: {  	_ =	swait.ge [sflag:s12], $0x2780  }
0x1a: {  	[sflag:s12] =	ssyncset.done $0x0  }
0x1b: {  	[sflag:s12] =	ssyncadd.s32 $0xFFFFD880  }
0x1c: {  	[bflag:$0x0] =	sbarrier.arrive $0xFFFF  }
0x1d: {  	[tilespmem:s16], [sflag:$0x1] =	stream.indirect.gather [hbm4b:s4+s15], $0x80, s3, s15, $0xb8;
	[tilespmem:$0x1E500] =	vst v63  }
0x1e: {  	_ = 	snop  }
0x1f: {  	[tilespmem:s17], [sflag:$0x3] =	stream.linear.gather [hbm4b:s7+s3], $0x80, $0x38;
	[tilespmem:$0x1E500] =	vst v63  }
0x20: {  	_ = 	snop  }
0x21: {  	[tilespmem:s18], [sflag:$0x2] =	stream.indirect.gather [hbm4b:s4+s15], $0x80, s15, s15, $0xb8;
	[tilespmem:$0x1E500] =	vst v63  }
0x22: {  	_ = 	snop  }
0x23: {  	[tilespmem:s19], [sflag:$0x4] =	stream.linear.gather [hbm4b:s8+s3], $0x80, $0x38;
	[tilespmem:$0x1E500] =	vst v63  }
0x24: {  	_ =	swait.ge [sflag:s20], $0x4000  }
0x25: {  	[sflag:s20] =	ssyncset.done $0x0  }
0x26: {  	[sflag:s20] =	ssyncadd.s32 $0xFFFFC000  }
0x27: {  	_ =	swait.ge [sflag:s21], $0x80  }
0x28: {  	[sflag:s21] =	ssyncset.done $0x0  }
0x29: {  	[sflag:s21] =	ssyncadd.s32 $0xFFFFFF80  }
0x2a: {  	[spmem:s1] =	stream.indirect.scatter.add.f32 [tilespmem:s16], [sflag:$0x5], $0x80, s17, s15, $0xb8;
	[tilespmem:$0x1E500] =	vst v63  }
0x2b: {  	_ =	swait.ge [sflag:s12], $0x4000  }
0x2c: {  	[sflag:s12] =	ssyncset.done $0x0  }
0x2d: {  	s25 =	simm.s32 $0x100;
	s26 =	sadd.s32 $0xFFFFFB20, s11;
	[sflag:s12] =	ssyncadd.s32 $0xFFFFC000  }
0x2e: {  	[tilespmem:s16], [sflag:$0x1] =	stream.indirect.gather [hbm4b:s4+s15], $0x80, s25, s15, $0xb8;
	[tilespmem:$0x1E500] =	vst v63  }
0x2f: {  	s30 =	sadd.s32 $0x500, s26  }
0x30: {  	[tilespmem:s17], [sflag:$0x3] =	stream.linear.gather [hbm4b:s30+s3], $0x80, $0x38;
	[tilespmem:$0x1E500] =	vst v63  }
0x31: {  	_ =	swait.ge [sflag:s22], $0x4000  }
0x32: {  	[sflag:s22] =	ssyncset.done $0x0  }
0x33: {  	[sflag:s22] =	ssyncadd.s32 $0xFFFFC000  }
0x34: {  	_ =	swait.ge [sflag:s23], $0x80  }
0x35: {  	[sflag:s23] =	ssyncset.done $0x0  }
0x36: {  	[sflag:s23] =	ssyncadd.s32 $0xFFFFFF80  }
0x37: {  	[spmem:s1] =	stream.indirect.scatter.add.f32 [tilespmem:s18], [sflag:$0x5], $0x80, s19, s15, $0xb8;
	[tilespmem:$0x1E500] =	vst v63  }
0x38: {  	_ =	swait.ge [sflag:s12], $0x4000  }
0x39: {  	s31 =	simm.s32 $0x180;
	s28 =	sadd.s32 $0x510, s26;
	[sflag:s12] =	ssyncset.done $0x0  }
0x3a: {  	s26 =	simm.s32 $0x280;
	s25 =	simm.s32 $0xFFFFFB40;
	[sflag:s12] =	ssyncadd.s32 $0xFFFFC000  }
0x3b: {  	[tilespmem:s18], [sflag:$0x2] =	stream.indirect.gather [hbm4b:s4+s15], $0x80, s31, s15, $0xb8;
	[tilespmem:$0x1E500] =	vst v63  }
.LBB2_2:
0x3c: {  	[tilespmem:s19], [sflag:$0x4] =	stream.linear.gather [hbm4b:s28+s3], $0x80, $0x38;
	[tilespmem:$0x1E500] =	vst v63  }
0x3d: {  	s28 =	smov.u32 s25  }
0x3e: {  	p0 =	sne.s32 s25, $0xFFFFFFE0;
	s25 =	sadd.s32 $0x20, s25;
	_ =	swait.ge [sflag:s20], $0x4000  }
0x3f: {  	[sflag:s20] =	ssyncset.done $0x0  }
0x40: {  	[sflag:s20] =	ssyncadd.s32 $0xFFFFC000  }
0x41: {  	_ =	swait.ge [sflag:s21], $0x80  }
0x42: {  	[sflag:s21] =	ssyncset.done $0x0  }
0x43: {  	[sflag:s21] =	ssyncadd.s32 $0xFFFFFF80  }
0x44: {  	[spmem:s1] =	stream.indirect.scatter.add.f32 [tilespmem:s16], [sflag:$0x5], $0x80, s17, s15, $0xb8;
	[tilespmem:$0x1E500] =	vst v63  }
0x45: {  	_ =	swait.ge [sflag:s12], $0x4000  }
0x46: {  	[sflag:s12] =	ssyncset.done $0x0  }
0x47: {  	s29 =	sadd.s32 $0xFFFFFF80, s26;
	s28 =	sadd.s32 s28, s11;
	[sflag:s12] =	ssyncadd.s32 $0xFFFFC000  }
0x48: {  	[tilespmem:s16], [sflag:$0x1] =	stream.indirect.gather [hbm4b:s4+s15], $0x80, s29, s15, $0xb8;
	[tilespmem:$0x1E500] =	vst v63  }
0x49: {  	s29 =	sadd.s32 $0x500, s28  }
0x4a: {  	[tilespmem:s17], [sflag:$0x3] =	stream.linear.gather [hbm4b:s29+s3], $0x80, $0x38;
	[tilespmem:$0x1E500] =	vst v63  }
0x4b: {  	_ =	swait.ge [sflag:s22], $0x4000  }
0x4c: {  	[sflag:s22] =	ssyncset.done $0x0  }
0x4d: {  	[sflag:s22] =	ssyncadd.s32 $0xFFFFC000  }
0x4e: {  	_ =	swait.ge [sflag:s23], $0x80  }
0x4f: {  	[sflag:s23] =	ssyncset.done $0x0  }
0x50: {  	[sflag:s23] =	ssyncadd.s32 $0xFFFFFF80  }
0x51: {  	[spmem:s1] =	stream.indirect.scatter.add.f32 [tilespmem:s18], [sflag:$0x5], $0x80, s19, s15, $0xb8;
	[tilespmem:$0x1E500] =	vst v63  }
.Ltmp0:
0x52: {  	_ =	swait.ge [sflag:s12], $0x4000;
	(pc) =	sbr.rel @p0 .LBB2_2-.Ltmp0, $4  }
0x53: {  	[sflag:s12] =	ssyncset.done $0x0  }
0x54: {  	[sflag:s12] =	ssyncadd.s32 $0xFFFFC000  }
0x55: {  	[tilespmem:s18], [sflag:$0x2] =	stream.indirect.gather [hbm4b:s4+s15], $0x80, s26, s15, $0xb8;
	[tilespmem:$0x1E500] =	vst v63  }
0x56: {  	s28 =	sadd.s32 $0x510, s28;
	s26 =	sadd.s32 $0x100, s26  }
0x57: {  	[tilespmem:s19], [sflag:$0x4] =	stream.linear.gather [hbm4b:s28+s3], $0x80, $0x38;
	[tilespmem:$0x1E500] =	vst v63  }
0x58: {  	_ =	swait.ge [sflag:s20], $0x4000  }
0x59: {  	[sflag:s20] =	ssyncset.done $0x0  }
0x5a: {  	[sflag:s20] =	ssyncadd.s32 $0xFFFFC000  }
0x5b: {  	_ =	swait.ge [sflag:s21], $0x80  }
0x5c: {  	[sflag:s21] =	ssyncset.done $0x0  }
0x5d: {  	[sflag:s21] =	ssyncadd.s32 $0xFFFFFF80  }
0x5e: {  	[spmem:s1] =	stream.indirect.scatter.add.f32 [tilespmem:s16], [sflag:$0x5], $0x80, s17, s15, $0xb8;
	[tilespmem:$0x1E500] =	vst v63  }
0x5f: {  	_ =	swait.ge [sflag:s12], $0x4000  }
0x60: {  	[sflag:s12] =	ssyncset.done $0x0  }
0x61: {  	[sflag:s12] =	ssyncadd.s32 $0xFFFFC000  }
0x62: {  	_ =	swait.ge [sflag:s22], $0x4000  }
0x63: {  	[sflag:s22] =	ssyncset.done $0x0  }
0x64: {  	[sflag:s22] =	ssyncadd.s32 $0xFFFFC000  }
0x65: {  	_ =	swait.ge [sflag:s23], $0x80  }
0x66: {  	[sflag:s23] =	ssyncset.done $0x0  }
0x67: {  	[sflag:s23] =	ssyncadd.s32 $0xFFFFFF80  }
0x68: {  	[spmem:s1] =	stream.indirect.scatter.add.f32 [tilespmem:s18], [sflag:$0x5], $0x80, s19, s15, $0xb8;
	[tilespmem:$0x1E500] =	vst v63  }
0x69: {  	_ =	swait.ge [sflag:s12], $0x4000  }
0x6a: {  	s24 =	sadd.s32 $0x1, s24;
	[sflag:s12] =	ssyncset.done $0x0  }
0x6b: {  	p0 =	sne.s32 s24, s10;
	[sflag:s12] =	ssyncadd.s32 $0xFFFFC000  }
.Ltmp1:
0x6c: {  	[bflag:$0x0] =	sbarrier.arrive $0xFFFF;
	(pc) =	sbr.rel @p0 .LBB2_1-.Ltmp1, $4  }
0x6d: {  	[hbm:s9], [sflag:s13] =	dma.local [spmem:s14], $0x2780  }
0x6e: {  	_ =	swait.ge [sflag:s12], $0x2780  }
0x6f: {  	[sflag:s12] =	ssyncset.done $0x0  }
0x70: {  	[sflag:s12] =	ssyncadd.s32 $0xFFFFD880  }
0x71: {  	_ =	sfence.sel $0x180000  }
0x72: {  	[bflag:$0x0] =	sbarrier.arrive $0xFFFF  }
0x73: {  	p0 =	sne.s32 s2, $0x0;
	_ =	strace $0x9000004A  }
0x74: {  	s0 =	sadd.s32 @!p0 $0x100000, s0;
	[bflag:$0x2] =	sbarrier.arrive $0xFFFF  }
0x75: {  	[sflag:s0] =	ssyncadd.tile.s32 @!p0 $0x1;
	_ =	shalt  }
.Lfunc_end2:
_tile_overlayer_lowered:
.L_overlay_start_2:
0x76: {  	(tag) =	ssettag $0x2  }
0x77: {  	s0 =	rddreg [dreg:$0x0];
	s2 =	stileid.u32  }
0x78: {  	s1 =	rddreg [dreg:$0x1];
	p0 =	sne.s32 s2, $0x0  }
0x79: {  	s3 =	rddreg [dreg:$0x2];
	[bflag:$0x3] =	sbarrier.arrive $0xFFFF;
	s2 =	simm.s32 @!p0 $0x1C05  }
0x7a: {  	[timem:s3], [sflag:s2] =	dma.local @!p0 [hbm:s0], s1  }
0x7b: {  	s0 =	simm.s32 @!p0 $0x5  }
0x7c: {  	_ =	swait.ge @!p0 [sflag:s0], s1  }
0x7d: {  	s1 =	ssub.s32 @!p0 $0x0, s1;
	[sflag:s0] =	ssyncset.done @!p0 $0x0  }
0x7e: {  	[sflag:s0] =	ssyncadd.s32 @!p0 s1  }
0x7f: {  	[bflag:$0x3] =	sbarrier.arrive $0xFFFF  }
0x80: {  	_ =	shalt  }

// kernel: kernel.17.cloned.1.call-start
scs
__scs_entry_jumppad:
0x0: {  	(pc) =	sbr.rel $0x88, $3  }
0x1: {  	(tag) =	ssettag $0x0;
	lr =	simm.s32 $0x1  }
0x2: {  	[smem:$0x3F99] =	sst lr;
	_ =	strace $0xD0000000  }
0x3: {  	_ = 	snop  }
0x4: {  	_ = 	snop  }
0x5: {  	_ = 	snop  }
0x6: {  	_ = 	snop  }
0x7: {  	_ = 	snop  }
__scs_overlays_trampoline_lowered:
0x8: {  	[smem:$0x3FA8] =	sst s0  }
0x9: {  	[smem:$0x3FA9] =	sst s1  }
0xa: {  	[smem:$0x3FAA] =	sst s2  }
0xb: {  	[smem:$0x3FAB] =	sst s3  }
0xc: {  	[smem:$0x3FAC] =	sst s4  }
0xd: {  	[smem:$0x3FAD] =	sst s5  }
0xe: {  	[smem:$0x3FAE] =	sst s6  }
0xf: {  	[smem:$0x3FAF] =	sst s7  }
0x10: {  	[smem:$0x3FB0] =	sst s8  }
0x11: {  	[smem:$0x3FB1] =	sst s9;
	s0 =	simm.s32 @!p0 $0x0  }
0x12: {  	s1 =	sld [smem:$0x3F97];
	s0 =	simm.s32 @p0 $0x1  }
0x13: {  	[smem:$0x3FB2] =	sst s0;
	s0 =	simm.s32 @!p1 $0x0  }
0x14: {  	s2 =	sld [smem:$0x3F96];
	s0 =	simm.s32 @p1 $0x1  }
0x15: {  	[smem:$0x3FB3] =	sst s0;
	s0 =	simm.s32 @!p2 $0x0  }
0x16: {  	s3 =	sld [smem:$0x3FDB];
	s0 =	simm.s32 @p2 $0x1  }
0x17: {  	s4 =	simm.s32 $0x1BF5;
	[smem:$0x3FB5] =	sst s0  }
0x18: {  	s0 =	sld [smem:$0x3F98];
	_ =	swait.ge [sflag:s4], $0x0  }
0x19: {  	s7 =	sld [smem:$0x3F99]  }
0x1a: {  	s8 =	sadd.s32 $0xFFFFE003, lr  }
0x1b: {  	s9 =	sadd.s32 $0xFFFFFEF7, lr;
	s5 =	simm.s32 $0xFFFFFFFF;
	p2 =	slt.u32 s8, $0xFFFFF086  }
0x1c: {  	p1 =	slt.u32 s9, $0xF7A;
	s5 =	simm.s32 @!p2 $0x0  }
0x1d: {  	s5 =	simm.s32 @p1 $0x1;
	p0 =	seq.s32 s7, s2  }
0x1e: {  	s7 =	smul.u32 @!p0 $0xF7A, s2;
	p2 =	seq.s32 @!p0 s5, $0x0  }
0x1f: {  	s9 =	smul.u32 $0xF7A, s1;
	s8 =	simm.s32 @!p0 $0x1BF5;
	p2 =	por !p2, p0  }
0x20: {  	[sflag:s8] =	ssyncset.s32 @!p0 $0xFFFFF086;
	s6 =	sadd.s32 @!p0 s3, s7;
	s7 =	simm.s32 @!p0 $0x108  }
0x21: {  	s3 =	sadd.s32 s3, s9;
	s6 =	sadd.s32 @!p0 $0x88, s6;
	s7 =	simm.s32 @p2 $0x1082  }
0x22: {  	[simem:s7], [sflag:s8] =	dma.local @!p0 [hbm:s6], $0xF7A  }
0x23: {  	s9 =	sor.u32 $0xD0000000, s2;
	s6 =	simm.s32 $0x108;
	_ =	swait.ge @!p0 [sflag:s8], $0x0  }
0x24: {  	s3 =	sadd.s32 $0x88, s3;
	s6 =	simm.s32 @!p1 $0x1082;
	[sflag:s4] =	ssyncset.s32 $0xFFFFF086  }
0x25: {  	[simem:s6], [sflag:s4] =	dma.local [hbm:s3], $0xF7A  }
0x26: {  	[smem:$0x3F99] =	sst s1;
	(tag) =	ssettag s2;
	_ =	strace s9  }
0x27: {  	s1 =	sld [smem:$0x3FA9]  }
0x28: {  	s2 =	sld [smem:$0x3FAA]  }
0x29: {  	s4 =	sld [smem:$0x3FAC]  }
0x2a: {  	p0 =	seq.s32 s5, $0x0;
	s5 =	sld [smem:$0x3FAD]  }
0x2b: {  	s6 =	sld [smem:$0x3FAE]  }
0x2c: {  	s7 =	sld [smem:$0x3FAF]  }
0x2d: {  	s3 =	simm.s32 $0x108;
	s8 =	sld [smem:$0x3FB0]  }
0x2e: {  	s3 =	simm.s32 @!p0 $0x1082;
	s9 =	sld [smem:$0x3FB1]  }
0x2f: {  	lr =	sadd.s32 s0, s3;
	s0 =	sld [smem:$0x3FA8]  }
0x30: {  	s3 =	sld [smem:$0x3FAB]  }
0x31: {  	[smem:$0x3FB4] =	sst s10  }
0x32: {  	s10 =	sld [smem:$0x3FB2];
	_ =	sdelay $0x3  }
0x33: {  	p0 =	seq.s32 s10, $0x1;
	s10 =	sld [smem:$0x3FB4];
	_ =	sdelay $0x3  }
0x34: {  	[smem:$0x3FB4] =	sst s10  }
0x35: {  	s10 =	sld [smem:$0x3FB3];
	_ =	sdelay $0x3  }
0x36: {  	p1 =	seq.s32 s10, $0x1;
	s10 =	sld [smem:$0x3FB4];
	_ =	sdelay $0x3  }
0x37: {  	[smem:$0x3FB4] =	sst s10  }
0x38: {  	s10 =	sld [smem:$0x3FB5]  }
0x39: {  	_ = 	snop;
	(pc) =	sbr.ind lr, $3  }
0x3a: {  	_ = 	snop  }
0x3b: {  	_ = 	snop  }
0x3c: {  	p2 =	seq.s32 s10, $0x1;
	s10 =	sld [smem:$0x3FB4]  }
0x3d: {  	_ =	shalt  }
0x3e: {  	_ =	shalt  }
0x3f: {  	_ =	shalt  }
0x40: {  	_ =	shalt  }
0x41: {  	_ =	shalt  }
0x42: {  	_ =	shalt  }
0x43: {  	_ =	shalt  }
0x44: {  	_ =	shalt  }
0x45: {  	_ =	shalt  }
0x46: {  	_ =	shalt  }
0x47: {  	_ =	shalt  }
0x48: {  	_ =	shalt  }
0x49: {  	_ =	shalt  }
0x4a: {  	_ =	shalt  }
0x4b: {  	_ =	shalt  }
0x4c: {  	_ =	shalt  }
0x4d: {  	_ =	shalt  }
0x4e: {  	_ =	shalt  }
0x4f: {  	_ =	shalt  }
0x50: {  	_ =	shalt  }
0x51: {  	_ =	shalt  }
0x52: {  	_ =	shalt  }
0x53: {  	_ =	shalt  }
0x54: {  	_ =	shalt  }
0x55: {  	_ =	shalt  }
0x56: {  	_ =	shalt  }
0x57: {  	_ =	shalt  }
0x58: {  	_ =	shalt  }
0x59: {  	_ =	shalt  }
0x5a: {  	_ =	shalt  }
0x5b: {  	_ =	shalt  }
0x5c: {  	_ =	shalt  }
0x5d: {  	_ =	shalt  }
0x5e: {  	_ =	shalt  }
0x5f: {  	_ =	shalt  }
0x60: {  	_ =	shalt  }
0x61: {  	_ =	shalt  }
0x62: {  	_ =	shalt  }
0x63: {  	_ =	shalt  }
0x64: {  	_ =	shalt  }
0x65: {  	_ =	shalt  }
0x66: {  	_ =	shalt  }
0x67: {  	_ =	shalt  }
0x68: {  	_ =	shalt  }
0x69: {  	_ =	shalt  }
0x6a: {  	_ =	shalt  }
0x6b: {  	_ =	shalt  }
0x6c: {  	_ =	shalt  }
0x6d: {  	_ =	shalt  }
0x6e: {  	_ =	shalt  }
0x6f: {  	_ =	shalt  }
0x70: {  	_ =	shalt  }
0x71: {  	_ =	shalt  }
0x72: {  	_ =	shalt  }
0x73: {  	_ =	shalt  }
0x74: {  	_ =	shalt  }
0x75: {  	_ =	shalt  }
0x76: {  	_ =	shalt  }
0x77: {  	_ =	shalt  }
0x78: {  	_ =	shalt  }
0x79: {  	_ =	shalt  }
0x7a: {  	_ =	shalt  }
0x7b: {  	_ =	shalt  }
0x7c: {  	_ =	shalt  }
0x7d: {  	_ =	shalt  }
0x7e: {  	_ =	shalt  }
0x7f: {  	_ =	shalt  }
0x80: {  	_ =	shalt  }
0x81: {  	_ =	shalt  }
0x82: {  	_ =	shalt  }
0x83: {  	_ =	shalt  }
0x84: {  	_ =	shalt  }
0x85: {  	_ =	shalt  }
0x86: {  	_ =	shalt  }
0x87: {  	_ =	shalt  }
.Lfunc_end0:
.L_simem_size_0:
called_computation.2_lowered:
.L_overlay_start_0:
0x88: {  	s2 =	sld [smem:$0x3FD9]  }
0x89: {  	s3 =	sld [smem:$0x3FFE];
	_ =	sdelay $0x1  }
0x8a: {  	s1 =	srdreg.scid  }
0x8b: {  	s0 =	sand.u32 $0x1, s1  }
0x8c: {  	s17 =	sshll.u32 s0, $0xA;
	s2 =	sadd.s32 s3, s2  }
0x8d: {  	s2 =	sadd.s32 s2, s17  }
0x8e: {  	[smem:$0x3FC0] =	sst s2  }
0x8f: {  	_ = 	snop  }
0x90: {  	s2 =	sld [smem:$0x3FD0];
	(tm) =	ssettm $0x1  }
0x91: {  	s18 =	sld [smem:$0x3FFB];
	_ =	sdelay $0x3  }
0x92: {  	_ =	strace s18  }
0x93: {  	s3 =	sld [smem:$0x3FFC];
	_ =	sdelay $0x3  }
0x94: {  	_ =	strace s3  }
0x95: {  	s3 =	sld [smem:$0x3FFD];
	_ =	sdelay $0x3  }
0x96: {  	_ =	strace s3  }
0x97: {  	_ =	strace $0x8FFFFFFF  }
0x98: {  	s19 =	sld [smem:$0x3FDB];
	_ =	sdelay $0x1  }
0x99: {  	s4 =	simm.s32 $_scs_section_size  }
0x9a: {  	s5 =	simm.s32 $_size__tile_overlayer_lowered;
	s6 =	simm.s32 $_tile_overlayer_lowered  }
0x9b: {  	s22 =	simm.s32 $0x1BFF;
	s21 =	sshll.u32 s6, $0x1;
	s3 =	sadd.s32 s4, s19  }
0x9c: {  	s7 =	simm.s32 $0x0;
	s20 =	sshll.u32 s5, $0x1;
	s5 =	sadd.s32 s21, s3  }
0x9d: {  	[timem:s7], [sflag:s22] =	dma.local [hbm:s5], s20  }
0x9e: {  	_ =	swait.ge [sflag:s22], s20  }
0x9f: {  	s4 =	ssub.s32 $0x0, s20;
	[sflag:s22] =	ssyncset.done $0x0  }
0xa0: {  	[sflag:s22] =	ssyncadd.s32 s4;
	_ =	sdelay $0x1  }
0xa1: {  	s23 =	simm.s32 $0x1B8B  }
0xa2: {  	_ =	swait.ge [sflag:s23], $0x1  }
0xa3: {  	[sflag:s23] =	ssyncset.done $0x0  }
0xa4: {  	s25 =	simm.s32 $0x1B8E;
	s24 =	sld [smem:$0x3FFE];
	[sflag:s23] =	ssyncadd.s32 $0xFFFFFFFF  }
0xa5: {  	s26 =	simm.s32 $execute0_lowered;
	[smem:$0x3FD2] =	sst s25  }
0xa6: {  	s5 =	sshll.u32 s26, $0x1;
	_ =	strace $0x8000004C;
	[dreg:$0x1] =	wrdreg $0xFFFFFFFF  }
0xa7: {  	s28 =	simm.s32 $_size_execute0_lowered;
	s3 =	sadd.s32 s3, s5;
	[dreg:$0x0] =	wrdreg $0x0  }
0xa8: {  	s5 =	sshll.u32 s28, $0x1;
	[dreg:$0x2] =	wrdreg s3  }
0xa9: {  	[dreg:$0x3] =	wrdreg s5  }
0xaa: {  	[dreg:$0x4] =	wrdreg $0xC0  }
0xab: {  	_ =	task [dreg:s7], $0x5FFFF  }
0xac: {  	[dreg:$0x1] =	wrdreg $0xFFFFFFFF  }
0xad: {  	[dreg:$0x0] =	wrdreg $0x60  }
0xae: {  	[dreg:$0x2] =	wrdreg s24  }
0xaf: {  	[dreg:$0x3] =	wrdreg s2  }
0xb0: {  	[dreg:$0x4] =	wrdreg $0x95000  }
0xb1: {  	[dreg:$0x5] =	wrdreg $0x9  }
0xb2: {  	_ =	task.clear_ibuf [dreg:s7], $0x6FFFF;
	_ =	strace $0x9000004C  }
0xb3: {  	s29 =	simm.s32 $0x9;
	_ =	strace $0x8000004E  }
0xb4: {  	_ =	swait.ge [sflag:s29], $0x1  }
0xb5: {  	[sflag:s29] =	ssyncadd.s32 $0xFFFFFFFF  }
0xb6: {  	_ =	strace $0x9000004E  }
0xb7: {  	_ =	sfence  }
0xb8: {  	s30 =	sld [smem:$0x0];
	_ =	sdelay $0x2  }
0xb9: {  	s31 =	sshll.u32 s1, $0xD;
	s1 =	sshrl.u32 s1, $0x2  }
0xba: {  	s3 =	sand.u32 $0x4000, s31;
	s1 =	sadd.s32 s1, s30  }
0xbb: {  	s0 =	sor.u32 s3, s0;
	s1 =	sshll.u32 s1, $0x11  }
0xbc: {  	s0 =	sor.u32 s1, s0  }
0xbd: {  	s0 =	sadd.s32 $0x8F2B, s0  }
0xbe: {  	[sflag:s0] =	ssyncadd.remote.s32 $0x1  }
0xbf: {  	_ =	sfence.sel $0xFFFF  }
0xc0: {  	[dreg:$0x0] =	wrdreg $0xFFFFFFFF;
	(pc) =	sbr.abs _section_cstart, $3  }
0xc1: {  	[dreg:$0x1] =	wrdreg $0xFFFFFFFF  }
0xc2: {  	_ =	task.clear_ibuf [dreg:s7], $0x2FFFF;
	_ =	strace $0x9FFFFFFF  }
0xc3: {  	(tm) =	ssettm $0x7FFFFFFF  }
tec
execute0_lowered:
.L_overlay_start_1:
0x0: {  	(tag) =	ssettag $0x1  }
0x1: {  	s6 =	rddreg [dreg:$0x0]  }
0x2: {  	s0 =	srdreg.scid;
	s2 =	rddreg [dreg:$0x1]  }
0x3: {  	s3 =	rddreg [dreg:$0x2];
	s4 =	simm.s32 $0x0;
	s16 =	simm.s32 $0x80  }
0x4: {  	s17 =	simm.s32 $0x1500;
	s18 =	simm.s32 $0x1400;
	s7 =	sand.u32 $0x1, s0  }
0x5: {  	s19 =	simm.s32 $0x5500;
	s0 =	stileid.u32;
	s9 =	smul.u32 $0x13C000, s7  }
0x6: {  	s20 =	simm.s32 $0x1480;
	s21 =	simm.s32 $0x1;
	s10 =	smul.u32 $0x13C00, s0  }
0x7: {  	[smem:$0x7FF] =	sst s4;
	s12 =	sadd.s32 $0x4200, s6;
	s22 =	smul.u32 $0x4F000, s0  }
0x8: {  	s1 =	sshll.u32 s7, $0x4;
	s13 =	ssub.s32 $0x2, s7;
	s14 =	smul.u32 $0x14000, s7  }
0x9: {  	s15 =	smul.u32 $0x1400, s0;
	s31 =	sshll.u32 s0, $0x6;
	s5 =	sor.u32 s0, s1  }
0xa: {  	s1 =	rddreg [dreg:$0x3];
	_ =	strace $0x8000004D;
	s8 =	smul.u32 $0x280, s5  }
0xb: {  	s23 =	sshrl.u32 s13, $0x1;
	s11 =	smul.u32 $0x1400, s5;
	s5 =	sadd.s32 $0x9200, s6  }
0xc: {  	s9 =	sadd.s32 s10, s9;
	s13 =	ssub.s32 s13, s23;
	s25 =	sshrl.u32 s22, $0x2  }
0xd: {  	s26 =	sadd.s32 s15, s14;
	s22 =	simm.s32 $0x3;
	s23 =	simm.s32 $0x2  }
0xe: {  	s9 =	sshrl.u32 s9, $0x3;
	s28 =	sadd.s32 s25, s3;
	s29 =	sor.u32 $0x180, s26  }
0xf: {  	s14 =	sor.u32 $0x100, s26;
	s10 =	smax.u32 s13, $0x1;
	s13 =	simm.s32 $0x5  }
0x10: {  	s25 =	simm.s32 $0x0;
	s8 =	sadd.s32 s8, s6;
	s9 =	sadd.s32 s9, s6  }
0x11: {  	s24 =	sshrl.u32 s11, $0x3;
	s11 =	sshrl.u32 s29, $0x3;
	s30 =	sshrl.u32 s14, $0x3  }
0x12: {  	s14 =	sor.u32 $0x1C05, s31;
	s15 =	sshrl.u32 s28, $0x3;
	s6 =	sadd.s32 $0xA9400, s8  }
0x13: {  	s7 =	sadd.s32 s12, s24;
	s9 =	sadd.s32 $0x59C00, s9;
	s11 =	sadd.s32 s11, s12  }
0x14: {  	s12 =	sadd.s32 s30, s12;
	s24 =	simm.s32 $0x4;
	s8 =	sadd.s32 $0x10, s7  }
.LBB2_1:
0x15: {  	[tilespmem:s4], [sflag:$0x5] =	stream.linear.gather [hbm4b:s6+s4], $0x1400, $0x38;
	[tilespmem:$0x1D100] =	vst v63  }
0x16: {  	_ =	swait.ge [sflag:s13], $0x1400  }
0x17: {  	[sflag:s13] =	ssyncset.done $0x0  }
0x18: {  	[sflag:s13] =	ssyncadd.s32 $0xFFFFEC00  }
0x19: {  	[spmem:s15], [sflag:s14] =	dma.local [hbm:s5], $0x2780  }
0x1a: {  	_ =	swait.ge [sflag:s13], $0x2780  }
0x1b: {  	[sflag:s13] =	ssyncset.done $0x0  }
0x1c: {  	[sflag:s13] =	ssyncadd.s32 $0xFFFFD880  }
0x1d: {  	[bflag:$0x0] =	sbarrier.arrive $0xFFFF  }
0x1e: {  	[tilespmem:s17], [sflag:$0x1] =	stream.indirect.gather [hbm4b:s2+s16], $0x80, s4, s16, $0xb8;
	[tilespmem:$0x1D100] =	vst v63  }
0x1f: {  	_ = 	snop  }
0x20: {  	[tilespmem:s18], [sflag:$0x3] =	stream.linear.gather [hbm4b:s7+s4], $0x80, $0x38;
	[tilespmem:$0x1D100] =	vst v63  }
0x21: {  	_ = 	snop  }
0x22: {  	[tilespmem:s19], [sflag:$0x2] =	stream.indirect.gather [hbm4b:s2+s16], $0x80, s16, s16, $0xb8;
	[tilespmem:$0x1D100] =	vst v63  }
0x23: {  	_ = 	snop  }
0x24: {  	[tilespmem:s20], [sflag:$0x4] =	stream.linear.gather [hbm4b:s8+s4], $0x80, $0x38;
	[tilespmem:$0x1D100] =	vst v63  }
0x25: {  	_ =	swait.ge [sflag:s21], $0x4000  }
0x26: {  	[sflag:s21] =	ssyncset.done $0x0  }
0x27: {  	[sflag:s21] =	ssyncadd.s32 $0xFFFFC000  }
0x28: {  	_ =	swait.ge [sflag:s22], $0x80  }
0x29: {  	[sflag:s22] =	ssyncset.done $0x0  }
0x2a: {  	[sflag:s22] =	ssyncadd.s32 $0xFFFFFF80  }
0x2b: {  	[spmem:s3] =	stream.indirect.scatter.add.f32 [tilespmem:s17], [sflag:$0x5], $0x80, s18, s16, $0xb8;
	[tilespmem:$0x1D100] =	vst v63  }
0x2c: {  	_ =	swait.ge [sflag:s13], $0x4000  }
0x2d: {  	[sflag:s13] =	ssyncset.done $0x0  }
0x2e: {  	s26 =	simm.s32 $0x100;
	[sflag:s13] =	ssyncadd.s32 $0xFFFFC000  }
0x2f: {  	[tilespmem:s17], [sflag:$0x1] =	stream.indirect.gather [hbm4b:s2+s16], $0x80, s26, s16, $0xb8;
	[tilespmem:$0x1D100] =	vst v63  }
0x30: {  	s30 =	sadd.s32 $0x0, s12  }
0x31: {  	[tilespmem:s18], [sflag:$0x3] =	stream.linear.gather [hbm4b:s30+s4], $0x80, $0x38;
	[tilespmem:$0x1D100] =	vst v63  }
0x32: {  	_ =	swait.ge [sflag:s23], $0x4000  }
0x33: {  	[sflag:s23] =	ssyncset.done $0x0  }
0x34: {  	[sflag:s23] =	ssyncadd.s32 $0xFFFFC000  }
0x35: {  	_ =	swait.ge [sflag:s24], $0x80  }
0x36: {  	[sflag:s24] =	ssyncset.done $0x0  }
0x37: {  	[sflag:s24] =	ssyncadd.s32 $0xFFFFFF80  }
0x38: {  	[spmem:s3] =	stream.indirect.scatter.add.f32 [tilespmem:s19], [sflag:$0x5], $0x80, s20, s16, $0xb8;
	[tilespmem:$0x1D100] =	vst v63  }
0x39: {  	_ =	swait.ge [sflag:s13], $0x4000  }
0x3a: {  	s31 =	simm.s32 $0x180;
	s29 =	sadd.s32 $0x0, s11;
	[sflag:s13] =	ssyncset.done $0x0  }
0x3b: {  	s28 =	simm.s32 $0x280;
	s26 =	simm.s32 $0x20;
	[sflag:s13] =	ssyncadd.s32 $0xFFFFC000  }
0x3c: {  	[tilespmem:s19], [sflag:$0x2] =	stream.indirect.gather [hbm4b:s2+s16], $0x80, s31, s16, $0xb8;
	[tilespmem:$0x1D100] =	vst v63  }
.LBB2_2:
0x3d: {  	[tilespmem:s20], [sflag:$0x4] =	stream.linear.gather [hbm4b:s29+s4], $0x80, $0x38;
	[tilespmem:$0x1D100] =	vst v63  }
0x3e: {  	s29 =	smov.u32 s26  }
0x3f: {  	p0 =	sne.s32 s26, $0x240;
	s26 =	sadd.s32 $0x20, s26;
	_ =	swait.ge [sflag:s21], $0x4000  }
0x40: {  	[sflag:s21] =	ssyncset.done $0x0  }
0x41: {  	[sflag:s21] =	ssyncadd.s32 $0xFFFFC000  }
0x42: {  	_ =	swait.ge [sflag:s22], $0x80  }
0x43: {  	[sflag:s22] =	ssyncset.done $0x0  }
0x44: {  	[sflag:s22] =	ssyncadd.s32 $0xFFFFFF80  }
0x45: {  	[spmem:s3] =	stream.indirect.scatter.add.f32 [tilespmem:s17], [sflag:$0x5], $0x80, s18, s16, $0xb8;
	[tilespmem:$0x1D100] =	vst v63  }
0x46: {  	_ =	swait.ge [sflag:s13], $0x4000  }
0x47: {  	[sflag:s13] =	ssyncset.done $0x0  }
0x48: {  	s30 =	sadd.s32 $0xFFFFFF80, s28;
	[sflag:s13] =	ssyncadd.s32 $0xFFFFC000  }
0x49: {  	[tilespmem:s17], [sflag:$0x1] =	stream.indirect.gather [hbm4b:s2+s16], $0x80, s30, s16, $0xb8;
	[tilespmem:$0x1D100] =	vst v63  }
0x4a: {  	s30 =	sadd.s32 s29, s12  }
0x4b: {  	[tilespmem:s18], [sflag:$0x3] =	stream.linear.gather [hbm4b:s30+s4], $0x80, $0x38;
	[tilespmem:$0x1D100] =	vst v63  }
0x4c: {  	_ =	swait.ge [sflag:s23], $0x4000  }
0x4d: {  	[sflag:s23] =	ssyncset.done $0x0  }
0x4e: {  	[sflag:s23] =	ssyncadd.s32 $0xFFFFC000  }
0x4f: {  	_ =	swait.ge [sflag:s24], $0x80  }
0x50: {  	[sflag:s24] =	ssyncset.done $0x0  }
0x51: {  	[sflag:s24] =	ssyncadd.s32 $0xFFFFFF80  }
0x52: {  	[spmem:s3] =	stream.indirect.scatter.add.f32 [tilespmem:s19], [sflag:$0x5], $0x80, s20, s16, $0xb8;
	[tilespmem:$0x1D100] =	vst v63  }
.Ltmp0:
0x53: {  	_ =	swait.ge [sflag:s13], $0x4000;
	(pc) =	sbr.rel @p0 .LBB2_2-.Ltmp0, $4  }
0x54: {  	[sflag:s13] =	ssyncset.done $0x0  }
0x55: {  	[sflag:s13] =	ssyncadd.s32 $0xFFFFC000  }
0x56: {  	[tilespmem:s19], [sflag:$0x2] =	stream.indirect.gather [hbm4b:s2+s16], $0x80, s28, s16, $0xb8;
	[tilespmem:$0x1D100] =	vst v63  }
0x57: {  	s29 =	sadd.s32 s29, s11;
	s28 =	sadd.s32 $0x100, s28  }
0x58: {  	[tilespmem:s20], [sflag:$0x4] =	stream.linear.gather [hbm4b:s29+s4], $0x80, $0x38;
	[tilespmem:$0x1D100] =	vst v63  }
0x59: {  	_ =	swait.ge [sflag:s21], $0x4000  }
0x5a: {  	[sflag:s21] =	ssyncset.done $0x0  }
0x5b: {  	[sflag:s21] =	ssyncadd.s32 $0xFFFFC000  }
0x5c: {  	_ =	swait.ge [sflag:s22], $0x80  }
0x5d: {  	[sflag:s22] =	ssyncset.done $0x0  }
0x5e: {  	[sflag:s22] =	ssyncadd.s32 $0xFFFFFF80  }
0x5f: {  	[spmem:s3] =	stream.indirect.scatter.add.f32 [tilespmem:s17], [sflag:$0x5], $0x80, s18, s16, $0xb8;
	[tilespmem:$0x1D100] =	vst v63  }
0x60: {  	_ =	swait.ge [sflag:s13], $0x4000  }
0x61: {  	[sflag:s13] =	ssyncset.done $0x0  }
0x62: {  	[sflag:s13] =	ssyncadd.s32 $0xFFFFC000  }
0x63: {  	_ =	swait.ge [sflag:s23], $0x4000  }
0x64: {  	[sflag:s23] =	ssyncset.done $0x0  }
0x65: {  	[sflag:s23] =	ssyncadd.s32 $0xFFFFC000  }
0x66: {  	_ =	swait.ge [sflag:s24], $0x80  }
0x67: {  	[sflag:s24] =	ssyncset.done $0x0  }
0x68: {  	[sflag:s24] =	ssyncadd.s32 $0xFFFFFF80  }
0x69: {  	[spmem:s3] =	stream.indirect.scatter.add.f32 [tilespmem:s19], [sflag:$0x5], $0x80, s20, s16, $0xb8;
	[tilespmem:$0x1D100] =	vst v63  }
0x6a: {  	_ =	swait.ge [sflag:s13], $0x4000  }
0x6b: {  	s25 =	sadd.s32 $0x1, s25;
	[sflag:s13] =	ssyncset.done $0x0  }
0x6c: {  	p0 =	sne.s32 s25, s10;
	[sflag:s13] =	ssyncadd.s32 $0xFFFFC000  }
.Ltmp1:
0x6d: {  	[bflag:$0x0] =	sbarrier.arrive $0xFFFF;
	(pc) =	sbr.rel @p0 .LBB2_1-.Ltmp1, $4  }
0x6e: {  	[hbm:s9], [sflag:s14] =	dma.local [spmem:s15], $0x2780  }
0x6f: {  	_ =	swait.ge [sflag:s13], $0x2780  }
0x70: {  	[sflag:s13] =	ssyncset.done $0x0  }
0x71: {  	[sflag:s13] =	ssyncadd.s32 $0xFFFFD880  }
0x72: {  	_ =	sfence.sel $0x180000  }
0x73: {  	[bflag:$0x0] =	sbarrier.arrive $0xFFFF  }
0x74: {  	p0 =	sne.s32 s0, $0x0;
	_ =	strace $0x9000004D  }
0x75: {  	s0 =	sadd.s32 @!p0 $0x100000, s1;
	[bflag:$0x2] =	sbarrier.arrive $0xFFFF  }
0x76: {  	[sflag:s0] =	ssyncadd.tile.s32 @!p0 $0x1;
	_ =	shalt  }
.Lfunc_end2:
_tile_overlayer_lowered:
.L_overlay_start_2:
0x77: {  	(tag) =	ssettag $0x2  }
0x78: {  	s0 =	rddreg [dreg:$0x0];
	s2 =	stileid.u32  }
0x79: {  	s1 =	rddreg [dreg:$0x1];
	p0 =	sne.s32 s2, $0x0  }
0x7a: {  	s3 =	rddreg [dreg:$0x2];
	[bflag:$0x3] =	sbarrier.arrive $0xFFFF;
	s2 =	simm.s32 @!p0 $0x1C05  }
0x7b: {  	[timem:s3], [sflag:s2] =	dma.local @!p0 [hbm:s0], s1  }
0x7c: {  	s0 =	simm.s32 @!p0 $0x5  }
0x7d: {  	_ =	swait.ge @!p0 [sflag:s0], s1  }
0x7e: {  	s1 =	ssub.s32 @!p0 $0x0, s1;
	[sflag:s0] =	ssyncset.done @!p0 $0x0  }
0x7f: {  	[sflag:s0] =	ssyncadd.s32 @!p0 s1  }
0x80: {  	[bflag:$0x3] =	sbarrier.arrive $0xFFFF  }
0x81: {  	_ =	shalt  }

</sc_bundles>
